<compile_context>
chip_gen: v7x
topology: tpu7x:2x2x1
jax: 0.10.2.dev20260603
libtpu: 0.0.44.dev20260713+nightly
codegen_flags: <defaults>
</compile_context>

<pallas_src>
import functools

import jax
import jax.numpy as jnp
from jax import lax
from jax.experimental import pallas as pl
from jax.experimental.pallas import tpu as pltpu
from jax.experimental.pallas import tpu_sc as plsc

BATCH = 1024
SEQ = 20
TOK = BATCH * SEQ
EMBED = 32
HIDDEN = 64
OUT = 1000
VDIM = 1000000
PACK = 4
GROW = 128
VROWS = 253952
RB = 8192
NDB = VROWS // RB

NUM_CORES = 2
NUM_SUBCORES = 16
NW = NUM_CORES * NUM_SUBCORES
TPW = TOK // NW
CHUNK = 128
NCHUNK = TPW // CHUNK

_sc_mesh = plsc.VectorSubcoreMesh(core_axis_name="c", subcore_axis_name="s")


def _detile_body(x0_ref, x1_ref, x2_ref, x3_ref, eye_ref, out_ref):
    x = jnp.concatenate(
        [x0_ref[...], x1_ref[...], x2_ref[...], x3_ref[...]], axis=0)
    out_ref[...] = lax.dot_general(x, eye_ref[...], (((0,), (0,)), ((), ())),
                                   preferred_element_type=jnp.float32)


def _detile(vt_t):
    return pl.pallas_call(
        _detile_body,
        grid=(NDB,),
        in_specs=[
            pl.BlockSpec(
                (EMBED, RB),
                lambda i, q=q: (0, jnp.minimum(i + q * NDB, VDIM // RB)))
            for q in range(PACK)
        ] + [pl.BlockSpec((GROW, GROW), lambda i: (0, 0))],
        out_specs=pl.BlockSpec((RB, GROW), lambda i: (i, 0)),
        out_shape=jax.ShapeDtypeStruct((VROWS, GROW), jnp.float32),
        compiler_params=pltpu.CompilerParams(
            dimension_semantics=("parallel",)),
    )(vt_t, vt_t, vt_t, vt_t, jnp.eye(GROW, dtype=jnp.float32))


@functools.partial(
    pl.kernel,
    mesh=_sc_mesh,
    out_type=jax.ShapeDtypeStruct((TOK, GROW), jnp.float32),
    scratch_types=(
        [pltpu.VMEM((1, CHUNK), jnp.int32) for _ in range(NCHUNK)]
        + [pltpu.VMEM((TPW, GROW), jnp.float32), pltpu.SemaphoreType.DMA]
    ),
)
def _sc_gather(vid_hbm, vtab_hbm, out_hbm, *rest):
    idxs, rows, sem = list(rest[:NCHUNK]), rest[NCHUNK], rest[NCHUNK + 1]
    wid = lax.axis_index("s") * NUM_CORES + lax.axis_index("c")
    base = wid * TPW
    for j in range(NCHUNK):
        pltpu.sync_copy(vid_hbm.at[wid * NCHUNK + j], idxs[j])
    copies = []
    for j in range(NCHUNK):
        copies.append(pltpu.async_copy(
            vtab_hbm.at[idxs[j].at[0]],
            rows.at[pl.ds(j * CHUNK, CHUNK), :],
            sem))
    for c in copies:
        c.wait()
    pltpu.sync_copy(rows, out_hbm.at[pl.ds(base, TPW), :])


LB = 1


def _mlp_body(rows_ref, vq_ref, pid_ref, pt_ref, w1q_ref, w1p_ref, b1_ref,
              w3_ref, b3_ref, out_ref):
    for s in range(LB):
        vq = vq_ref[s]
        pid = pid_ref[s]
        rows = rows_ref[pl.ds(s * BATCH, BATCH), :]
        h = b1_ref[...]
        for q in range(PACK):
            hq = lax.dot_general(w1q_ref[q], rows, (((0,), (1,)), ((), ())),
                                 preferred_element_type=jnp.float32)
            mq = jnp.where(vq == q, 1.0, 0.0)
            h = h + hq * mq
        row_ids = lax.broadcasted_iota(jnp.int32, (OUT, BATCH), 0)
        onehot = jnp.where(row_ids == pid, 1.0, 0.0).astype(jnp.float32)
        pe = lax.dot_general(pt_ref[...], onehot, (((1,), (0,)), ((), ())),
                             preferred_element_type=jnp.float32)
        h = h + lax.dot_general(w1p_ref[...], pe, (((0,), (0,)), ((), ())),
                                preferred_element_type=jnp.float32)
        h = jnp.maximum(h, 0.0)
        logits = lax.dot_general(w3_ref[...], h, (((0,), (0,)), ((), ())),
                                 preferred_element_type=jnp.float32)
        logits = logits + b3_ref[...]
        m = jnp.max(logits, axis=0, keepdims=True)
        e = jnp.exp(logits - m)
        lse = jnp.log(jnp.sum(e, axis=0, keepdims=True)) + m
        out_ref[s] = logits - lse


def _mlp(rows, vq3, pids3, pt_t, w1q, w1p, b1c, w3, b3c):
    return pl.pallas_call(
        _mlp_body,
        grid=(SEQ // LB,),
        in_specs=[
            pl.BlockSpec((LB * BATCH, GROW), lambda i: (i, 0)),
            pl.BlockSpec((LB, 1, BATCH), lambda i: (i, 0, 0)),
            pl.BlockSpec((LB, 1, BATCH), lambda i: (i, 0, 0)),
            pl.BlockSpec((EMBED, OUT), lambda i: (0, 0)),
            pl.BlockSpec((PACK, GROW, HIDDEN), lambda i: (0, 0, 0)),
            pl.BlockSpec((EMBED, HIDDEN), lambda i: (0, 0)),
            pl.BlockSpec((HIDDEN, 1), lambda i: (0, 0)),
            pl.BlockSpec((HIDDEN, OUT), lambda i: (0, 0)),
            pl.BlockSpec((OUT, 1), lambda i: (0, 0)),
        ],
        out_specs=pl.BlockSpec((LB, OUT, BATCH), lambda i: (i, 0, 0)),
        out_shape=jax.ShapeDtypeStruct((SEQ, OUT, BATCH), jnp.float32),
        compiler_params=pltpu.CompilerParams(
            dimension_semantics=("parallel",)),
    )(rows, vq3, pids3, pt_t, w1q, w1p, b1c, w3, b3c)


def kernel(vessel_ids, port_ids, vessel_table, port_table, W1, b1, W3, b3):
    vids_tau = vessel_ids.T.reshape(TOK).astype(jnp.int32)
    vrow = (vids_tau % VROWS).reshape(NW * NCHUNK, 1, CHUNK)
    vq3 = (vids_tau // VROWS).reshape(SEQ, 1, BATCH)
    pids3 = port_ids.T.reshape(SEQ, 1, BATCH).astype(jnp.int32)
    pt_t = port_table.T
    w1v = W1[:EMBED]
    w1q = jnp.stack([
        jnp.pad(w1v, ((q * EMBED, GROW - (q + 1) * EMBED), (0, 0)))
        for q in range(PACK)])
    vt4 = _detile(vessel_table.T)
    rows = _sc_gather(vrow, vt4)
    out_t = _mlp(rows, vq3, pids3, pt_t, w1q, W1[EMBED:],
                 b1.reshape(HIDDEN, 1), W3, b3.reshape(OUT, 1))
    return out_t.transpose(2, 0, 1)

# --- scband reference (transcript-rebuilt; emitter-appended) ---
"""Pipeline reference for scband-port-predict-neural-network-22393959482144 (READ-ONLY COPY).

The authoritative reference and input builder live on the scoring server;
editing this copy changes nothing except your own understanding.
"""

import jax, jax.numpy as jnp
import numpy as np

VESSEL_DIM = 1000000
PORT_DIM = 1000
EMBED_DIM = 32
HIDDEN_DIM = 64
OUTPUT_DIM = 1000
B, L = 1024, 20


def setup_inputs(seed: int = 0) -> dict:
    key = jax.random.key(seed)
    k1, k2, k3, k4, k5, k6, k7, k8 = jax.random.split(key, 8)
    vessel_ids = jax.random.randint(k1, (B, L), 0, VESSEL_DIM)
    port_ids = jax.random.randint(k2, (B, L), 0, PORT_DIM)
    vessel_table = jax.random.normal(k3, (VESSEL_DIM, EMBED_DIM), dtype=jnp.float32)
    port_table = jax.random.normal(k4, (PORT_DIM, EMBED_DIM), dtype=jnp.float32)
    W1 = jax.random.normal(k5, (EMBED_DIM * 2, HIDDEN_DIM), dtype=jnp.float32) * (1.0 / np.sqrt(EMBED_DIM * 2))
    b1 = jax.random.normal(k6, (HIDDEN_DIM,), dtype=jnp.float32) * 0.01
    W3 = jax.random.normal(k7, (HIDDEN_DIM, OUTPUT_DIM), dtype=jnp.float32) * (1.0 / np.sqrt(HIDDEN_DIM))
    b3 = jax.random.normal(k8, (OUTPUT_DIM,), dtype=jnp.float32) * 0.01
    return {
        "vessel_ids": vessel_ids,
        "port_ids": port_ids,
        "vessel_table": vessel_table,
        "port_table": port_table,
        "W1": W1,
        "b1": b1,
        "W3": W3,
        "b3": b3,
    }


def reference(vessel_ids, port_ids, vessel_table, port_table, W1, b1, W3, b3):
    # nn.Embedding lookups (gather)
    vessel_embed = jnp.take(vessel_table, vessel_ids, axis=0)   # [B, L, E]
    port_embed = jnp.take(port_table, port_ids, axis=0)         # [B, L, E]
    embed = jnp.concatenate((vessel_embed, port_embed), axis=2)  # [B, L, 2E]
    out = jax.nn.relu(embed @ W1 + b1)                           # [B, L, H]
    out = out @ W3 + b3                                          # [B, L, O]
    out = jax.nn.log_softmax(out, axis=2)
    return out

if __name__ == "__main__":
    import jax
    _d = setup_inputs()
    print(jax.jit(kernel)(*tuple(_d.values())))

</pallas_src>

<mosaic_0001>
#map = affine_map<(d0, d1) -> (0, 0, 0)>
#map1 = affine_map<(d0, d1) -> (0, 0)>
module attributes {stable_mosaic.version = 14 : i64} {
  func.func @_sc_gather(%arg0: i32, %arg1: i32, %arg2: memref<160x1x128xi32, #tpu.memory_space<hbm>>, %arg3: memref<253952x128xf32, #tpu.memory_space<hbm>>, %arg4: memref<20480x128xf32, #tpu.memory_space<hbm>>, %arg5: memref<1x128xi32, #tpu.memory_space<vmem>>, %arg6: memref<1x128xi32, #tpu.memory_space<vmem>>, %arg7: memref<1x128xi32, #tpu.memory_space<vmem>>, %arg8: memref<1x128xi32, #tpu.memory_space<vmem>>, %arg9: memref<1x128xi32, #tpu.memory_space<vmem>>, %arg10: memref<640x128xf32, #tpu.memory_space<vmem>>, %arg11: memref<!tpu.dma_semaphore, #tpu.memory_space<semaphore_mem>>) attributes {dimension_semantics = [#tpu.dimension_semantics<core_parallel>, #tpu.dimension_semantics<subcore_parallel>], iteration_bounds = array<i64: 2, 16>, scalar_prefetch = 0 : i64, scratch_operands = 7 : i64, tpu.core_type = #tpu.core_type<sc_vector_subcore>, window_params = [{transform_indices = #map}, {transform_indices = #map1}, {transform_indices = #map1}]} {
    %mul3A = arith.constant 2 : i32
    %mul3A_0 = arith.muli %arg1, %mul3A : i32
    %add3A = arith.addi %mul3A_0, %arg0 : i32
    %mul3A_1 = arith.constant 640 : i32
    %mul3A_2 = arith.muli %add3A, %mul3A_1 : i32
    %mul3A_3 = arith.constant 5 : i32
    %mul3A_4 = arith.muli %add3A, %mul3A_3 : i32
    %add3A_5 = arith.constant 0 : i32
    %add3A_6 = arith.addi %mul3A_4, %add3A_5 : i32
    "tpu.region"() ({
      %run_scoped3A = tpu.sem_alloc : memref<!tpu.dma_semaphore, #tpu.memory_space<semaphore_mem>>
      %dma_start3A_121 = arith.constant 0 : i32
      %dma_start3A_122 = arith.constant 0 : i32
      %dma_start3A_123 = tpu.memref_slice %arg2[%add3A_6, %dma_start3A_121, %dma_start3A_122] : memref<160x1x128xi32, #tpu.memory_space<hbm>> -> memref<1x1x128xi32, #tpu.memory_space<hbm>>
      %dma_start3A_124 = tpu.memref_squeeze %dma_start3A_123 : memref<1x1x128xi32, #tpu.memory_space<hbm>> -> memref<1x128xi32, #tpu.memory_space<hbm>>
      %dma_start3A_125 = arith.constant 0 : i32
      %dma_start3A_126 = arith.constant 0 : i32
      %dma_start3A_127 = tpu.memref_slice %arg2[%add3A_6, %dma_start3A_125, %dma_start3A_126] : memref<160x1x128xi32, #tpu.memory_space<hbm>> -> memref<1x1x128xi32, #tpu.memory_space<hbm>>
      %dma_start3A_128 = tpu.memref_squeeze %dma_start3A_127 : memref<1x1x128xi32, #tpu.memory_space<hbm>> -> memref<1x128xi32, #tpu.memory_space<hbm>>
      tpu.enqueue_dma source(%dma_start3A_128 : memref<1x128xi32, #tpu.memory_space<hbm>>) target(%arg5 : memref<1x128xi32, #tpu.memory_space<vmem>>) target_semaphore(%run_scoped3A : memref<!tpu.dma_semaphore, #tpu.memory_space<semaphore_mem>>)
      %dma_wait3A_129 = arith.constant 0 : i32
      %dma_wait3A_130 = arith.constant 0 : i32
      %dma_wait3A_131 = tpu.memref_slice %arg2[%add3A_6, %dma_wait3A_129, %dma_wait3A_130] : memref<160x1x128xi32, #tpu.memory_space<hbm>> -> memref<1x1x128xi32, #tpu.memory_space<hbm>>
      %dma_wait3A_132 = tpu.memref_squeeze %dma_wait3A_131 : memref<1x1x128xi32, #tpu.memory_space<hbm>> -> memref<1x128xi32, #tpu.memory_space<hbm>>
      %dma_wait3A_133 = arith.constant 0 : i32
      %dma_wait3A_134 = arith.constant 0 : i32
      %dma_wait3A_135 = tpu.memref_slice %arg2[%add3A_6, %dma_wait3A_133, %dma_wait3A_134] : memref<160x1x128xi32, #tpu.memory_space<hbm>> -> memref<1x1x128xi32, #tpu.memory_space<hbm>>
      %dma_wait3A_136 = tpu.memref_squeeze %dma_wait3A_135 : memref<1x1x128xi32, #tpu.memory_space<hbm>> -> memref<1x128xi32, #tpu.memory_space<hbm>>
      tpu.wait_dma2 semaphore(%run_scoped3A : memref<!tpu.dma_semaphore, #tpu.memory_space<semaphore_mem>>) src(%dma_wait3A_136 : memref<1x128xi32, #tpu.memory_space<hbm>>) dst(%arg5 : memref<1x128xi32, #tpu.memory_space<vmem>>)
      tpu.yield
    }) : () -> ()
    %mul3A_7 = arith.constant 5 : i32
    %mul3A_8 = arith.muli %add3A, %mul3A_7 : i32
    %add3A_9 = arith.constant 1 : i32
    %add3A_10 = arith.addi %mul3A_8, %add3A_9 : i32
    "tpu.region"() ({
      %run_scoped3A = tpu.sem_alloc : memref<!tpu.dma_semaphore, #tpu.memory_space<semaphore_mem>>
      %dma_start3A_121 = arith.constant 0 : i32
      %dma_start3A_122 = arith.constant 0 : i32
      %dma_start3A_123 = tpu.memref_slice %arg2[%add3A_10, %dma_start3A_121, %dma_start3A_122] : memref<160x1x128xi32, #tpu.memory_space<hbm>> -> memref<1x1x128xi32, #tpu.memory_space<hbm>>
      %dma_start3A_124 = tpu.memref_squeeze %dma_start3A_123 : memref<1x1x128xi32, #tpu.memory_space<hbm>> -> memref<1x128xi32, #tpu.memory_space<hbm>>
      %dma_start3A_125 = arith.constant 0 : i32
      %dma_start3A_126 = arith.constant 0 : i32
      %dma_start3A_127 = tpu.memref_slice %arg2[%add3A_10, %dma_start3A_125, %dma_start3A_126] : memref<160x1x128xi32, #tpu.memory_space<hbm>> -> memref<1x1x128xi32, #tpu.memory_space<hbm>>
      %dma_start3A_128 = tpu.memref_squeeze %dma_start3A_127 : memref<1x1x128xi32, #tpu.memory_space<hbm>> -> memref<1x128xi32, #tpu.memory_space<hbm>>
      tpu.enqueue_dma source(%dma_start3A_128 : memref<1x128xi32, #tpu.memory_space<hbm>>) target(%arg6 : memref<1x128xi32, #tpu.memory_space<vmem>>) target_semaphore(%run_scoped3A : memref<!tpu.dma_semaphore, #tpu.memory_space<semaphore_mem>>)
      %dma_wait3A_129 = arith.constant 0 : i32
      %dma_wait3A_130 = arith.constant 0 : i32
      %dma_wait3A_131 = tpu.memref_slice %arg2[%add3A_10, %dma_wait3A_129, %dma_wait3A_130] : memref<160x1x128xi32, #tpu.memory_space<hbm>> -> memref<1x1x128xi32, #tpu.memory_space<hbm>>
      %dma_wait3A_132 = tpu.memref_squeeze %dma_wait3A_131 : memref<1x1x128xi32, #tpu.memory_space<hbm>> -> memref<1x128xi32, #tpu.memory_space<hbm>>
      %dma_wait3A_133 = arith.constant 0 : i32
      %dma_wait3A_134 = arith.constant 0 : i32
      %dma_wait3A_135 = tpu.memref_slice %arg2[%add3A_10, %dma_wait3A_133, %dma_wait3A_134] : memref<160x1x128xi32, #tpu.memory_space<hbm>> -> memref<1x1x128xi32, #tpu.memory_space<hbm>>
      %dma_wait3A_136 = tpu.memref_squeeze %dma_wait3A_135 : memref<1x1x128xi32, #tpu.memory_space<hbm>> -> memref<1x128xi32, #tpu.memory_space<hbm>>
      tpu.wait_dma2 semaphore(%run_scoped3A : memref<!tpu.dma_semaphore, #tpu.memory_space<semaphore_mem>>) src(%dma_wait3A_136 : memref<1x128xi32, #tpu.memory_space<hbm>>) dst(%arg6 : memref<1x128xi32, #tpu.memory_space<vmem>>)
      tpu.yield
    }) : () -> ()
    %mul3A_11 = arith.constant 5 : i32
    %mul3A_12 = arith.muli %add3A, %mul3A_11 : i32
    %add3A_13 = arith.constant 2 : i32
    %add3A_14 = arith.addi %mul3A_12, %add3A_13 : i32
    "tpu.region"() ({
      %run_scoped3A = tpu.sem_alloc : memref<!tpu.dma_semaphore, #tpu.memory_space<semaphore_mem>>
      %dma_start3A_121 = arith.constant 0 : i32
      %dma_start3A_122 = arith.constant 0 : i32
      %dma_start3A_123 = tpu.memref_slice %arg2[%add3A_14, %dma_start3A_121, %dma_start3A_122] : memref<160x1x128xi32, #tpu.memory_space<hbm>> -> memref<1x1x128xi32, #tpu.memory_space<hbm>>
      %dma_start3A_124 = tpu.memref_squeeze %dma_start3A_123 : memref<1x1x128xi32, #tpu.memory_space<hbm>> -> memref<1x128xi32, #tpu.memory_space<hbm>>
      %dma_start3A_125 = arith.constant 0 : i32
      %dma_start3A_126 = arith.constant 0 : i32
      %dma_start3A_127 = tpu.memref_slice %arg2[%add3A_14, %dma_start3A_125, %dma_start3A_126] : memref<160x1x128xi32, #tpu.memory_space<hbm>> -> memref<1x1x128xi32, #tpu.memory_space<hbm>>
      %dma_start3A_128 = tpu.memref_squeeze %dma_start3A_127 : memref<1x1x128xi32, #tpu.memory_space<hbm>> -> memref<1x128xi32, #tpu.memory_space<hbm>>
      tpu.enqueue_dma source(%dma_start3A_128 : memref<1x128xi32, #tpu.memory_space<hbm>>) target(%arg7 : memref<1x128xi32, #tpu.memory_space<vmem>>) target_semaphore(%run_scoped3A : memref<!tpu.dma_semaphore, #tpu.memory_space<semaphore_mem>>)
      %dma_wait3A_129 = arith.constant 0 : i32
      %dma_wait3A_130 = arith.constant 0 : i32
      %dma_wait3A_131 = tpu.memref_slice %arg2[%add3A_14, %dma_wait3A_129, %dma_wait3A_130] : memref<160x1x128xi32, #tpu.memory_space<hbm>> -> memref<1x1x128xi32, #tpu.memory_space<hbm>>
      %dma_wait3A_132 = tpu.memref_squeeze %dma_wait3A_131 : memref<1x1x128xi32, #tpu.memory_space<hbm>> -> memref<1x128xi32, #tpu.memory_space<hbm>>
      %dma_wait3A_133 = arith.constant 0 : i32
      %dma_wait3A_134 = arith.constant 0 : i32
      %dma_wait3A_135 = tpu.memref_slice %arg2[%add3A_14, %dma_wait3A_133, %dma_wait3A_134] : memref<160x1x128xi32, #tpu.memory_space<hbm>> -> memref<1x1x128xi32, #tpu.memory_space<hbm>>
      %dma_wait3A_136 = tpu.memref_squeeze %dma_wait3A_135 : memref<1x1x128xi32, #tpu.memory_space<hbm>> -> memref<1x128xi32, #tpu.memory_space<hbm>>
      tpu.wait_dma2 semaphore(%run_scoped3A : memref<!tpu.dma_semaphore, #tpu.memory_space<semaphore_mem>>) src(%dma_wait3A_136 : memref<1x128xi32, #tpu.memory_space<hbm>>) dst(%arg7 : memref<1x128xi32, #tpu.memory_space<vmem>>)
      tpu.yield
    }) : () -> ()
    %mul3A_15 = arith.constant 5 : i32
    %mul3A_16 = arith.muli %add3A, %mul3A_15 : i32
    %add3A_17 = arith.constant 3 : i32
    %add3A_18 = arith.addi %mul3A_16, %add3A_17 : i32
    "tpu.region"() ({
      %run_scoped3A = tpu.sem_alloc : memref<!tpu.dma_semaphore, #tpu.memory_space<semaphore_mem>>
      %dma_start3A_121 = arith.constant 0 : i32
      %dma_start3A_122 = arith.constant 0 : i32
      %dma_start3A_123 = tpu.memref_slice %arg2[%add3A_18, %dma_start3A_121, %dma_start3A_122] : memref<160x1x128xi32, #tpu.memory_space<hbm>> -> memref<1x1x128xi32, #tpu.memory_space<hbm>>
      %dma_start3A_124 = tpu.memref_squeeze %dma_start3A_123 : memref<1x1x128xi32, #tpu.memory_space<hbm>> -> memref<1x128xi32, #tpu.memory_space<hbm>>
      %dma_start3A_125 = arith.constant 0 : i32
      %dma_start3A_126 = arith.constant 0 : i32
      %dma_start3A_127 = tpu.memref_slice %arg2[%add3A_18, %dma_start3A_125, %dma_start3A_126] : memref<160x1x128xi32, #tpu.memory_space<hbm>> -> memref<1x1x128xi32, #tpu.memory_space<hbm>>
      %dma_start3A_128 = tpu.memref_squeeze %dma_start3A_127 : memref<1x1x128xi32, #tpu.memory_space<hbm>> -> memref<1x128xi32, #tpu.memory_space<hbm>>
      tpu.enqueue_dma source(%dma_start3A_128 : memref<1x128xi32, #tpu.memory_space<hbm>>) target(%arg8 : memref<1x128xi32, #tpu.memory_space<vmem>>) target_semaphore(%run_scoped3A : memref<!tpu.dma_semaphore, #tpu.memory_space<semaphore_mem>>)
      %dma_wait3A_129 = arith.constant 0 : i32
      %dma_wait3A_130 = arith.constant 0 : i32
      %dma_wait3A_131 = tpu.memref_slice %arg2[%add3A_18, %dma_wait3A_129, %dma_wait3A_130] : memref<160x1x128xi32, #tpu.memory_space<hbm>> -> memref<1x1x128xi32, #tpu.memory_space<hbm>>
      %dma_wait3A_132 = tpu.memref_squeeze %dma_wait3A_131 : memref<1x1x128xi32, #tpu.memory_space<hbm>> -> memref<1x128xi32, #tpu.memory_space<hbm>>
      %dma_wait3A_133 = arith.constant 0 : i32
      %dma_wait3A_134 = arith.constant 0 : i32
      %dma_wait3A_135 = tpu.memref_slice %arg2[%add3A_18, %dma_wait3A_133, %dma_wait3A_134] : memref<160x1x128xi32, #tpu.memory_space<hbm>> -> memref<1x1x128xi32, #tpu.memory_space<hbm>>
      %dma_wait3A_136 = tpu.memref_squeeze %dma_wait3A_135 : memref<1x1x128xi32, #tpu.memory_space<hbm>> -> memref<1x128xi32, #tpu.memory_space<hbm>>
      tpu.wait_dma2 semaphore(%run_scoped3A : memref<!tpu.dma_semaphore, #tpu.memory_space<semaphore_mem>>) src(%dma_wait3A_136 : memref<1x128xi32, #tpu.memory_space<hbm>>) dst(%arg8 : memref<1x128xi32, #tpu.memory_space<vmem>>)
      tpu.yield
    }) : () -> ()
    %mul3A_19 = arith.constant 5 : i32
    %mul3A_20 = arith.muli %add3A, %mul3A_19 : i32
    %add3A_21 = arith.constant 4 : i32
    %add3A_22 = arith.addi %mul3A_20, %add3A_21 : i32
    "tpu.region"() ({
      %run_scoped3A = tpu.sem_alloc : memref<!tpu.dma_semaphore, #tpu.memory_space<semaphore_mem>>
      %dma_start3A_121 = arith.constant 0 : i32
      %dma_start3A_122 = arith.constant 0 : i32
      %dma_start3A_123 = tpu.memref_slice %arg2[%add3A_22, %dma_start3A_121, %dma_start3A_122] : memref<160x1x128xi32, #tpu.memory_space<hbm>> -> memref<1x1x128xi32, #tpu.memory_space<hbm>>
      %dma_start3A_124 = tpu.memref_squeeze %dma_start3A_123 : memref<1x1x128xi32, #tpu.memory_space<hbm>> -> memref<1x128xi32, #tpu.memory_space<hbm>>
      %dma_start3A_125 = arith.constant 0 : i32
      %dma_start3A_126 = arith.constant 0 : i32
      %dma_start3A_127 = tpu.memref_slice %arg2[%add3A_22, %dma_start3A_125, %dma_start3A_126] : memref<160x1x128xi32, #tpu.memory_space<hbm>> -> memref<1x1x128xi32, #tpu.memory_space<hbm>>
      %dma_start3A_128 = tpu.memref_squeeze %dma_start3A_127 : memref<1x1x128xi32, #tpu.memory_space<hbm>> -> memref<1x128xi32, #tpu.memory_space<hbm>>
      tpu.enqueue_dma source(%dma_start3A_128 : memref<1x128xi32, #tpu.memory_space<hbm>>) target(%arg9 : memref<1x128xi32, #tpu.memory_space<vmem>>) target_semaphore(%run_scoped3A : memref<!tpu.dma_semaphore, #tpu.memory_space<semaphore_mem>>)
      %dma_wait3A_129 = arith.constant 0 : i32
      %dma_wait3A_130 = arith.constant 0 : i32
      %dma_wait3A_131 = tpu.memref_slice %arg2[%add3A_22, %dma_wait3A_129, %dma_wait3A_130] : memref<160x1x128xi32, #tpu.memory_space<hbm>> -> memref<1x1x128xi32, #tpu.memory_space<hbm>>
      %dma_wait3A_132 = tpu.memref_squeeze %dma_wait3A_131 : memref<1x1x128xi32, #tpu.memory_space<hbm>> -> memref<1x128xi32, #tpu.memory_space<hbm>>
      %dma_wait3A_133 = arith.constant 0 : i32
      %dma_wait3A_134 = arith.constant 0 : i32
      %dma_wait3A_135 = tpu.memref_slice %arg2[%add3A_22, %dma_wait3A_133, %dma_wait3A_134] : memref<160x1x128xi32, #tpu.memory_space<hbm>> -> memref<1x1x128xi32, #tpu.memory_space<hbm>>
      %dma_wait3A_136 = tpu.memref_squeeze %dma_wait3A_135 : memref<1x1x128xi32, #tpu.memory_space<hbm>> -> memref<1x128xi32, #tpu.memory_space<hbm>>
      tpu.wait_dma2 semaphore(%run_scoped3A : memref<!tpu.dma_semaphore, #tpu.memory_space<semaphore_mem>>) src(%dma_wait3A_136 : memref<1x128xi32, #tpu.memory_space<hbm>>) dst(%arg9 : memref<1x128xi32, #tpu.memory_space<vmem>>)
      tpu.yield
    }) : () -> ()
    %dma_start3A = arith.constant 0 : i32
    %dma_start3A_23 = arith.constant 0 : i32
    %dma_start3A_24 = arith.constant 0 : i32
    %dma_start3A_25 = tpu.memref_slice %arg10[%dma_start3A_23, %dma_start3A_24] : memref<640x128xf32, #tpu.memory_space<vmem>> -> memref<128x128xf32, #tpu.memory_space<vmem>>
    %dma_start3A_26 = arith.constant 0 : i32
    %dma_start3A_27 = tpu.memref_slice %arg5[%dma_start3A, %dma_start3A_26] : memref<1x128xi32, #tpu.memory_space<vmem>> -> memref<1x128xi32, #tpu.memory_space<vmem>>
    %dma_start3A_28 = tpu.memref_squeeze %dma_start3A_27 : memref<1x128xi32, #tpu.memory_space<vmem>> -> memref<128xi32, #tpu.memory_space<vmem>>
    %dma_start3A_29 = arith.constant 0 : i32
    %dma_start3A_30 = arith.constant 0 : i32
    %dma_start3A_31 = tpu.memref_slice %arg3[%dma_start3A_29, %dma_start3A_30] : memref<253952x128xf32, #tpu.memory_space<hbm>> -> memref<253952x128xf32, #tpu.memory_space<hbm>>
    tpu.enqueue_indirect_dma source(%dma_start3A_31 : memref<253952x128xf32, #tpu.memory_space<hbm>>) target(%dma_start3A_25 : memref<128x128xf32, #tpu.memory_space<vmem>>) offsets(%dma_start3A_28 : memref<128xi32, #tpu.memory_space<vmem>>) semaphore(%arg11 : memref<!tpu.dma_semaphore, #tpu.memory_space<semaphore_mem>>)
    %dma_start3A_32 = arith.constant 0 : i32
    %dma_start3A_33 = arith.constant 128 : i32
    %dma_start3A_34 = arith.constant 0 : i32
    %dma_start3A_35 = tpu.memref_slice %arg10[%dma_start3A_33, %dma_start3A_34] : memref<640x128xf32, #tpu.memory_space<vmem>> -> memref<128x128xf32, #tpu.memory_space<vmem>>
    %dma_start3A_36 = arith.constant 0 : i32
    %dma_start3A_37 = tpu.memref_slice %arg6[%dma_start3A_32, %dma_start3A_36] : memref<1x128xi32, #tpu.memory_space<vmem>> -> memref<1x128xi32, #tpu.memory_space<vmem>>
    %dma_start3A_38 = tpu.memref_squeeze %dma_start3A_37 : memref<1x128xi32, #tpu.memory_space<vmem>> -> memref<128xi32, #tpu.memory_space<vmem>>
    %dma_start3A_39 = arith.constant 0 : i32
    %dma_start3A_40 = arith.constant 0 : i32
    %dma_start3A_41 = tpu.memref_slice %arg3[%dma_start3A_39, %dma_start3A_40] : memref<253952x128xf32, #tpu.memory_space<hbm>> -> memref<253952x128xf32, #tpu.memory_space<hbm>>
    tpu.enqueue_indirect_dma source(%dma_start3A_41 : memref<253952x128xf32, #tpu.memory_space<hbm>>) target(%dma_start3A_35 : memref<128x128xf32, #tpu.memory_space<vmem>>) offsets(%dma_start3A_38 : memref<128xi32, #tpu.memory_space<vmem>>) semaphore(%arg11 : memref<!tpu.dma_semaphore, #tpu.memory_space<semaphore_mem>>)
    %dma_start3A_42 = arith.constant 0 : i32
    %dma_start3A_43 = arith.constant 256 : i32
    %dma_start3A_44 = arith.constant 0 : i32
    %dma_start3A_45 = tpu.memref_slice %arg10[%dma_start3A_43, %dma_start3A_44] : memref<640x128xf32, #tpu.memory_space<vmem>> -> memref<128x128xf32, #tpu.memory_space<vmem>>
    %dma_start3A_46 = arith.constant 0 : i32
    %dma_start3A_47 = tpu.memref_slice %arg7[%dma_start3A_42, %dma_start3A_46] : memref<1x128xi32, #tpu.memory_space<vmem>> -> memref<1x128xi32, #tpu.memory_space<vmem>>
    %dma_start3A_48 = tpu.memref_squeeze %dma_start3A_47 : memref<1x128xi32, #tpu.memory_space<vmem>> -> memref<128xi32, #tpu.memory_space<vmem>>
    %dma_start3A_49 = arith.constant 0 : i32
    %dma_start3A_50 = arith.constant 0 : i32
    %dma_start3A_51 = tpu.memref_slice %arg3[%dma_start3A_49, %dma_start3A_50] : memref<253952x128xf32, #tpu.memory_space<hbm>> -> memref<253952x128xf32, #tpu.memory_space<hbm>>
    tpu.enqueue_indirect_dma source(%dma_start3A_51 : memref<253952x128xf32, #tpu.memory_space<hbm>>) target(%dma_start3A_45 : memref<128x128xf32, #tpu.memory_space<vmem>>) offsets(%dma_start3A_48 : memref<128xi32, #tpu.memory_space<vmem>>) semaphore(%arg11 : memref<!tpu.dma_semaphore, #tpu.memory_space<semaphore_mem>>)
    %dma_start3A_52 = arith.constant 0 : i32
    %dma_start3A_53 = arith.constant 384 : i32
    %dma_start3A_54 = arith.constant 0 : i32
    %dma_start3A_55 = tpu.memref_slice %arg10[%dma_start3A_53, %dma_start3A_54] : memref<640x128xf32, #tpu.memory_space<vmem>> -> memref<128x128xf32, #tpu.memory_space<vmem>>
    %dma_start3A_56 = arith.constant 0 : i32
    %dma_start3A_57 = tpu.memref_slice %arg8[%dma_start3A_52, %dma_start3A_56] : memref<1x128xi32, #tpu.memory_space<vmem>> -> memref<1x128xi32, #tpu.memory_space<vmem>>
    %dma_start3A_58 = tpu.memref_squeeze %dma_start3A_57 : memref<1x128xi32, #tpu.memory_space<vmem>> -> memref<128xi32, #tpu.memory_space<vmem>>
    %dma_start3A_59 = arith.constant 0 : i32
    %dma_start3A_60 = arith.constant 0 : i32
    %dma_start3A_61 = tpu.memref_slice %arg3[%dma_start3A_59, %dma_start3A_60] : memref<253952x128xf32, #tpu.memory_space<hbm>> -> memref<253952x128xf32, #tpu.memory_space<hbm>>
    tpu.enqueue_indirect_dma source(%dma_start3A_61 : memref<253952x128xf32, #tpu.memory_space<hbm>>) target(%dma_start3A_55 : memref<128x128xf32, #tpu.memory_space<vmem>>) offsets(%dma_start3A_58 : memref<128xi32, #tpu.memory_space<vmem>>) semaphore(%arg11 : memref<!tpu.dma_semaphore, #tpu.memory_space<semaphore_mem>>)
    %dma_start3A_62 = arith.constant 0 : i32
    %dma_start3A_63 = arith.constant 512 : i32
    %dma_start3A_64 = arith.constant 0 : i32
    %dma_start3A_65 = tpu.memref_slice %arg10[%dma_start3A_63, %dma_start3A_64] : memref<640x128xf32, #tpu.memory_space<vmem>> -> memref<128x128xf32, #tpu.memory_space<vmem>>
    %dma_start3A_66 = arith.constant 0 : i32
    %dma_start3A_67 = tpu.memref_slice %arg9[%dma_start3A_62, %dma_start3A_66] : memref<1x128xi32, #tpu.memory_space<vmem>> -> memref<1x128xi32, #tpu.memory_space<vmem>>
    %dma_start3A_68 = tpu.memref_squeeze %dma_start3A_67 : memref<1x128xi32, #tpu.memory_space<vmem>> -> memref<128xi32, #tpu.memory_space<vmem>>
    %dma_start3A_69 = arith.constant 0 : i32
    %dma_start3A_70 = arith.constant 0 : i32
    %dma_start3A_71 = tpu.memref_slice %arg3[%dma_start3A_69, %dma_start3A_70] : memref<253952x128xf32, #tpu.memory_space<hbm>> -> memref<253952x128xf32, #tpu.memory_space<hbm>>
    tpu.enqueue_indirect_dma source(%dma_start3A_71 : memref<253952x128xf32, #tpu.memory_space<hbm>>) target(%dma_start3A_65 : memref<128x128xf32, #tpu.memory_space<vmem>>) offsets(%dma_start3A_68 : memref<128xi32, #tpu.memory_space<vmem>>) semaphore(%arg11 : memref<!tpu.dma_semaphore, #tpu.memory_space<semaphore_mem>>)
    %dma_wait3A = arith.constant 0 : i32
    %dma_wait3A_72 = arith.constant 0 : i32
    %dma_wait3A_73 = arith.constant 0 : i32
    %dma_wait3A_74 = tpu.memref_slice %arg10[%dma_wait3A_72, %dma_wait3A_73] : memref<640x128xf32, #tpu.memory_space<vmem>> -> memref<128x128xf32, #tpu.memory_space<vmem>>
    %dma_wait3A_75 = arith.constant 0 : i32
    %dma_wait3A_76 = tpu.memref_slice %arg5[%dma_wait3A, %dma_wait3A_75] : memref<1x128xi32, #tpu.memory_space<vmem>> -> memref<1x128xi32, #tpu.memory_space<vmem>>
    %dma_wait3A_77 = tpu.memref_squeeze %dma_wait3A_76 : memref<1x128xi32, #tpu.memory_space<vmem>> -> memref<128xi32, #tpu.memory_space<vmem>>
    %dma_wait3A_78 = arith.constant 0 : i32
    %dma_wait3A_79 = arith.constant 0 : i32
    %dma_wait3A_80 = tpu.memref_slice %arg3[%dma_wait3A_78, %dma_wait3A_79] : memref<253952x128xf32, #tpu.memory_space<hbm>> -> memref<253952x128xf32, #tpu.memory_space<hbm>>
    tpu.wait_indirect_dma semaphore(%arg11 : memref<!tpu.dma_semaphore, #tpu.memory_space<semaphore_mem>>) src(%dma_wait3A_80 : memref<253952x128xf32, #tpu.memory_space<hbm>>) dst(%dma_wait3A_74 : memref<128x128xf32, #tpu.memory_space<vmem>>)
    %dma_wait3A_81 = arith.constant 0 : i32
    %dma_wait3A_82 = arith.constant 128 : i32
    %dma_wait3A_83 = arith.constant 0 : i32
    %dma_wait3A_84 = tpu.memref_slice %arg10[%dma_wait3A_82, %dma_wait3A_83] : memref<640x128xf32, #tpu.memory_space<vmem>> -> memref<128x128xf32, #tpu.memory_space<vmem>>
    %dma_wait3A_85 = arith.constant 0 : i32
    %dma_wait3A_86 = tpu.memref_slice %arg6[%dma_wait3A_81, %dma_wait3A_85] : memref<1x128xi32, #tpu.memory_space<vmem>> -> memref<1x128xi32, #tpu.memory_space<vmem>>
    %dma_wait3A_87 = tpu.memref_squeeze %dma_wait3A_86 : memref<1x128xi32, #tpu.memory_space<vmem>> -> memref<128xi32, #tpu.memory_space<vmem>>
    %dma_wait3A_88 = arith.constant 0 : i32
    %dma_wait3A_89 = arith.constant 0 : i32
    %dma_wait3A_90 = tpu.memref_slice %arg3[%dma_wait3A_88, %dma_wait3A_89] : memref<253952x128xf32, #tpu.memory_space<hbm>> -> memref<253952x128xf32, #tpu.memory_space<hbm>>
    tpu.wait_indirect_dma semaphore(%arg11 : memref<!tpu.dma_semaphore, #tpu.memory_space<semaphore_mem>>) src(%dma_wait3A_90 : memref<253952x128xf32, #tpu.memory_space<hbm>>) dst(%dma_wait3A_84 : memref<128x128xf32, #tpu.memory_space<vmem>>)
    %dma_wait3A_91 = arith.constant 0 : i32
    %dma_wait3A_92 = arith.constant 256 : i32
    %dma_wait3A_93 = arith.constant 0 : i32
    %dma_wait3A_94 = tpu.memref_slice %arg10[%dma_wait3A_92, %dma_wait3A_93] : memref<640x128xf32, #tpu.memory_space<vmem>> -> memref<128x128xf32, #tpu.memory_space<vmem>>
    %dma_wait3A_95 = arith.constant 0 : i32
    %dma_wait3A_96 = tpu.memref_slice %arg7[%dma_wait3A_91, %dma_wait3A_95] : memref<1x128xi32, #tpu.memory_space<vmem>> -> memref<1x128xi32, #tpu.memory_space<vmem>>
    %dma_wait3A_97 = tpu.memref_squeeze %dma_wait3A_96 : memref<1x128xi32, #tpu.memory_space<vmem>> -> memref<128xi32, #tpu.memory_space<vmem>>
    %dma_wait3A_98 = arith.constant 0 : i32
    %dma_wait3A_99 = arith.constant 0 : i32
    %dma_wait3A_100 = tpu.memref_slice %arg3[%dma_wait3A_98, %dma_wait3A_99] : memref<253952x128xf32, #tpu.memory_space<hbm>> -> memref<253952x128xf32, #tpu.memory_space<hbm>>
    tpu.wait_indirect_dma semaphore(%arg11 : memref<!tpu.dma_semaphore, #tpu.memory_space<semaphore_mem>>) src(%dma_wait3A_100 : memref<253952x128xf32, #tpu.memory_space<hbm>>) dst(%dma_wait3A_94 : memref<128x128xf32, #tpu.memory_space<vmem>>)
    %dma_wait3A_101 = arith.constant 0 : i32
    %dma_wait3A_102 = arith.constant 384 : i32
    %dma_wait3A_103 = arith.constant 0 : i32
    %dma_wait3A_104 = tpu.memref_slice %arg10[%dma_wait3A_102, %dma_wait3A_103] : memref<640x128xf32, #tpu.memory_space<vmem>> -> memref<128x128xf32, #tpu.memory_space<vmem>>
    %dma_wait3A_105 = arith.constant 0 : i32
    %dma_wait3A_106 = tpu.memref_slice %arg8[%dma_wait3A_101, %dma_wait3A_105] : memref<1x128xi32, #tpu.memory_space<vmem>> -> memref<1x128xi32, #tpu.memory_space<vmem>>
    %dma_wait3A_107 = tpu.memref_squeeze %dma_wait3A_106 : memref<1x128xi32, #tpu.memory_space<vmem>> -> memref<128xi32, #tpu.memory_space<vmem>>
    %dma_wait3A_108 = arith.constant 0 : i32
    %dma_wait3A_109 = arith.constant 0 : i32
    %dma_wait3A_110 = tpu.memref_slice %arg3[%dma_wait3A_108, %dma_wait3A_109] : memref<253952x128xf32, #tpu.memory_space<hbm>> -> memref<253952x128xf32, #tpu.memory_space<hbm>>
    tpu.wait_indirect_dma semaphore(%arg11 : memref<!tpu.dma_semaphore, #tpu.memory_space<semaphore_mem>>) src(%dma_wait3A_110 : memref<253952x128xf32, #tpu.memory_space<hbm>>) dst(%dma_wait3A_104 : memref<128x128xf32, #tpu.memory_space<vmem>>)
    %dma_wait3A_111 = arith.constant 0 : i32
    %dma_wait3A_112 = arith.constant 512 : i32
    %dma_wait3A_113 = arith.constant 0 : i32
    %dma_wait3A_114 = tpu.memref_slice %arg10[%dma_wait3A_112, %dma_wait3A_113] : memref<640x128xf32, #tpu.memory_space<vmem>> -> memref<128x128xf32, #tpu.memory_space<vmem>>
    %dma_wait3A_115 = arith.constant 0 : i32
    %dma_wait3A_116 = tpu.memref_slice %arg9[%dma_wait3A_111, %dma_wait3A_115] : memref<1x128xi32, #tpu.memory_space<vmem>> -> memref<1x128xi32, #tpu.memory_space<vmem>>
    %dma_wait3A_117 = tpu.memref_squeeze %dma_wait3A_116 : memref<1x128xi32, #tpu.memory_space<vmem>> -> memref<128xi32, #tpu.memory_space<vmem>>
    %dma_wait3A_118 = arith.constant 0 : i32
    %dma_wait3A_119 = arith.constant 0 : i32
    %dma_wait3A_120 = tpu.memref_slice %arg3[%dma_wait3A_118, %dma_wait3A_119] : memref<253952x128xf32, #tpu.memory_space<hbm>> -> memref<253952x128xf32, #tpu.memory_space<hbm>>
    tpu.wait_indirect_dma semaphore(%arg11 : memref<!tpu.dma_semaphore, #tpu.memory_space<semaphore_mem>>) src(%dma_wait3A_120 : memref<253952x128xf32, #tpu.memory_space<hbm>>) dst(%dma_wait3A_114 : memref<128x128xf32, #tpu.memory_space<vmem>>)
    "tpu.region"() ({
      %run_scoped3A = tpu.sem_alloc : memref<!tpu.dma_semaphore, #tpu.memory_space<semaphore_mem>>
      %dma_start3A_121 = arith.constant 0 : i32
      %dma_start3A_122 = tpu.memref_slice %arg4[%mul3A_2, %dma_start3A_121] : memref<20480x128xf32, #tpu.memory_space<hbm>> -> memref<640x128xf32, #tpu.memory_space<hbm>>
      %dma_start3A_123 = arith.constant 0 : i32
      %dma_start3A_124 = tpu.memref_slice %arg4[%mul3A_2, %dma_start3A_123] : memref<20480x128xf32, #tpu.memory_space<hbm>> -> memref<640x128xf32, #tpu.memory_space<hbm>>
      tpu.enqueue_dma source(%arg10 : memref<640x128xf32, #tpu.memory_space<vmem>>) target(%dma_start3A_124 : memref<640x128xf32, #tpu.memory_space<hbm>>) target_semaphore(%run_scoped3A : memref<!tpu.dma_semaphore, #tpu.memory_space<semaphore_mem>>)
      %dma_wait3A_125 = arith.constant 0 : i32
      %dma_wait3A_126 = tpu.memref_slice %arg4[%mul3A_2, %dma_wait3A_125] : memref<20480x128xf32, #tpu.memory_space<hbm>> -> memref<640x128xf32, #tpu.memory_space<hbm>>
      %dma_wait3A_127 = arith.constant 0 : i32
      %dma_wait3A_128 = tpu.memref_slice %arg4[%mul3A_2, %dma_wait3A_127] : memref<20480x128xf32, #tpu.memory_space<hbm>> -> memref<640x128xf32, #tpu.memory_space<hbm>>
      tpu.wait_dma2 semaphore(%run_scoped3A : memref<!tpu.dma_semaphore, #tpu.memory_space<semaphore_mem>>) src(%arg10 : memref<640x128xf32, #tpu.memory_space<vmem>>) dst(%dma_wait3A_128 : memref<640x128xf32, #tpu.memory_space<hbm>>)
      tpu.yield
    }) : () -> ()
    return
  }
}

module attributes {stable_mosaic.version = 14 : i64} {
  func.func @_detile_body(%arg0: i32, %arg1: memref<32x8192xf32, #tpu.memory_space<vmem>>, %arg2: memref<32x8192xf32, #tpu.memory_space<vmem>>, %arg3: memref<32x8192xf32, #tpu.memory_space<vmem>>, %arg4: memref<32x8192xf32, #tpu.memory_space<vmem>>, %arg5: memref<128x128xf32, #tpu.memory_space<vmem>>, %arg6: memref<8192x128xf32, #tpu.memory_space<vmem>>) attributes {dimension_semantics = [#tpu.dimension_semantics<parallel>], iteration_bounds = array<i64: 31>, scalar_prefetch = 0 : i64, scratch_operands = 0 : i64, tpu.core_type = #tpu.core_type<tc>, window_params = [{transform_indices = @transform_0, window_bounds = array<i64: 32, 8192>}, {transform_indices = @transform_1, window_bounds = array<i64: 32, 8192>}, {transform_indices = @transform_2, window_bounds = array<i64: 32, 8192>}, {transform_indices = @transform_3, window_bounds = array<i64: 32, 8192>}, {pipeline_mode = #tpu.pipeline_mode<synchronous>, transform_indices = @transform_4, window_bounds = array<i64: 128, 128>}, {transform_indices = @transform_5, window_bounds = array<i64: 8192, 128>}]} {
    %get3A = arith.constant 0 : index
    %get3A_0 = arith.constant 0 : index
    %get3A_1 = vector.load %arg1[%get3A, %get3A_0] : memref<32x8192xf32, #tpu.memory_space<vmem>>, vector<32x8192xf32>
    %get3A_2 = arith.constant 0 : index
    %get3A_3 = arith.constant 0 : index
    %get3A_4 = vector.load %arg2[%get3A_2, %get3A_3] : memref<32x8192xf32, #tpu.memory_space<vmem>>, vector<32x8192xf32>
    %get3A_5 = arith.constant 0 : index
    %get3A_6 = arith.constant 0 : index
    %get3A_7 = vector.load %arg3[%get3A_5, %get3A_6] : memref<32x8192xf32, #tpu.memory_space<vmem>>, vector<32x8192xf32>
    %get3A_8 = arith.constant 0 : index
    %get3A_9 = arith.constant 0 : index
    %get3A_10 = vector.load %arg4[%get3A_8, %get3A_9] : memref<32x8192xf32, #tpu.memory_space<vmem>>, vector<32x8192xf32>
    %concatenate3A = tpu.concatenate %get3A_1, %get3A_4, %get3A_7, %get3A_10 in 0 : vector<32x8192xf32>, vector<32x8192xf32>, vector<32x8192xf32>, vector<32x8192xf32> -> vector<128x8192xf32>
    %get3A_11 = arith.constant 0 : index
    %get3A_12 = arith.constant 0 : index
    %get3A_13 = vector.load %arg5[%get3A_11, %get3A_12] : memref<128x128xf32, #tpu.memory_space<vmem>>, vector<128x128xf32>
    %dot_general3A = arith.constant dense<0.000000e+00> : vector<8192x128xf32>
    %dot_general3A_14 = tpu.matmul %concatenate3A, %get3A_13, %dot_general3A {dimension_numbers = #tpu.dot_dimension_numbers<[0], [0], [1], [1], [0, 1, 1, 1], [], []>, transpose_lhs_hint = false} : vector<128x8192xf32>, vector<128x128xf32>, vector<8192x128xf32> -> vector<8192x128xf32>
    %swap3A = arith.constant 0 : index
    %swap3A_15 = arith.constant 0 : index
    %swap3A_16 = vector.load %arg6[%swap3A, %swap3A_15] : memref<8192x128xf32, #tpu.memory_space<vmem>>, vector<8192x128xf32>
    tpu.vector_store %arg6[%swap3A, %swap3A_15], %dot_general3A_14 {strides = array<i32>} : memref<8192x128xf32, #tpu.memory_space<vmem>>, vector<8192x128xf32>,
    return
  }
  func.func @transform_0(%arg0: i32) -> (i32, i32) {
    %add3A = arith.constant 0 : i32
    %add3A_0 = arith.addi %arg0, %add3A : i32
    %min3A = arith.constant 122 : i32
    %min3A_1 = arith.minsi %add3A_0, %min3A : i32
    %c0_i32 = arith.constant 0 : i32
    %c0_i32_2 = arith.constant 0 : i32
    return %c0_i32, %min3A_1 : i32, i32
  }
  func.func @transform_1(%arg0: i32) -> (i32, i32) {
    %add3A = arith.constant 31 : i32
    %add3A_0 = arith.addi %arg0, %add3A : i32
    %min3A = arith.constant 122 : i32
    %min3A_1 = arith.minsi %add3A_0, %min3A : i32
    %c0_i32 = arith.constant 0 : i32
    %c0_i32_2 = arith.constant 0 : i32
    return %c0_i32, %min3A_1 : i32, i32
  }
  func.func @transform_2(%arg0: i32) -> (i32, i32) {
    %add3A = arith.constant 62 : i32
    %add3A_0 = arith.addi %arg0, %add3A : i32
    %min3A = arith.constant 122 : i32
    %min3A_1 = arith.minsi %add3A_0, %min3A : i32
    %c0_i32 = arith.constant 0 : i32
    %c0_i32_2 = arith.constant 0 : i32
    return %c0_i32, %min3A_1 : i32, i32
  }
  func.func @transform_3(%arg0: i32) -> (i32, i32) {
    %add3A = arith.constant 93 : i32
    %add3A_0 = arith.addi %arg0, %add3A : i32
    %min3A = arith.constant 122 : i32
    %min3A_1 = arith.minsi %add3A_0, %min3A : i32
    %c0_i32 = arith.constant 0 : i32
    %c0_i32_2 = arith.constant 0 : i32
    return %c0_i32, %min3A_1 : i32, i32
  }
  func.func @transform_4(%arg0: i32) -> (i32, i32) {
    %c0_i32 = arith.constant 0 : i32
    %c0_i32_0 = arith.constant 0 : i32
    %c0_i32_1 = arith.constant 0 : i32
    return %c0_i32, %c0_i32_0 : i32, i32
  }
  func.func @transform_5(%arg0: i32) -> (i32, i32) {
    %c0_i32 = arith.constant 0 : i32
    %c0_i32_0 = arith.constant 0 : i32
    return %arg0, %c0_i32 : i32, i32
  }
}

module attributes {stable_mosaic.version = 14 : i64} {
  func.func @_mlp_body(%arg0: i32, %arg1: memref<1024x128xf32, #tpu.memory_space<vmem>>, %arg2: memref<1x1x1024xi32, #tpu.memory_space<vmem>>, %arg3: memref<1x1x1024xi32, #tpu.memory_space<vmem>>, %arg4: memref<32x1000xf32, #tpu.memory_space<vmem>>, %arg5: memref<4x128x64xf32, #tpu.memory_space<vmem>>, %arg6: memref<32x64xf32, #tpu.memory_space<vmem>>, %arg7: memref<64x1xf32, #tpu.memory_space<vmem>>, %arg8: memref<64x1000xf32, #tpu.memory_space<vmem>>, %arg9: memref<1000x1xf32, #tpu.memory_space<vmem>>, %arg10: memref<1x1000x1024xf32, #tpu.memory_space<vmem>>) attributes {dimension_semantics = [#tpu.dimension_semantics<parallel>], iteration_bounds = array<i64: 20>, scalar_prefetch = 0 : i64, scratch_operands = 0 : i64, tpu.core_type = #tpu.core_type<tc>, window_params = [{transform_indices = @transform_0, window_bounds = array<i64: 1024, 128>}, {transform_indices = @transform_1, window_bounds = array<i64: 1, 1, 1024>}, {transform_indices = @transform_2, window_bounds = array<i64: 1, 1, 1024>}, {pipeline_mode = #tpu.pipeline_mode<synchronous>, transform_indices = @transform_3, window_bounds = array<i64: 32, 1000>}, {pipeline_mode = #tpu.pipeline_mode<synchronous>, transform_indices = @transform_4, window_bounds = array<i64: 4, 128, 64>}, {pipeline_mode = #tpu.pipeline_mode<synchronous>, transform_indices = @transform_5, window_bounds = array<i64: 32, 64>}, {pipeline_mode = #tpu.pipeline_mode<synchronous>, transform_indices = @transform_6, window_bounds = array<i64: 64, 1>}, {pipeline_mode = #tpu.pipeline_mode<synchronous>, transform_indices = @transform_7, window_bounds = array<i64: 64, 1000>}, {pipeline_mode = #tpu.pipeline_mode<synchronous>, transform_indices = @transform_8, window_bounds = array<i64: 1000, 1>}, {transform_indices = @transform_9, window_bounds = array<i64: 1, 1000, 1024>}]} {
    %get3A = arith.constant 0 : index
    %get3A_0 = arith.constant 0 : index
    %get3A_1 = arith.constant 0 : index
    %get3A_2 = vector.load %arg2[%get3A, %get3A_0, %get3A_1] : memref<1x1x1024xi32, #tpu.memory_space<vmem>>, vector<1x1x1024xi32>
    %get3A_3 = vector.shape_cast %get3A_2 : vector<1x1x1024xi32> to vector<1x1024xi32>
    %get3A_4 = arith.constant 0 : index
    %get3A_5 = arith.constant 0 : index
    %get3A_6 = arith.constant 0 : index
    %get3A_7 = vector.load %arg3[%get3A_4, %get3A_5, %get3A_6] : memref<1x1x1024xi32, #tpu.memory_space<vmem>>, vector<1x1x1024xi32>
    %get3A_8 = vector.shape_cast %get3A_7 : vector<1x1x1024xi32> to vector<1x1024xi32>
    %get3A_9 = arith.constant 0 : index
    %get3A_10 = arith.constant 0 : index
    %get3A_11 = vector.load %arg1[%get3A_9, %get3A_10] : memref<1024x128xf32, #tpu.memory_space<vmem>>, vector<1024x128xf32>
    %get3A_12 = arith.constant 0 : index
    %get3A_13 = arith.constant 0 : index
    %get3A_14 = vector.load %arg7[%get3A_12, %get3A_13] : memref<64x1xf32, #tpu.memory_space<vmem>>, vector<64x1xf32>
    %get3A_15 = arith.constant 0 : index
    %get3A_16 = arith.constant 0 : index
    %get3A_17 = arith.constant 0 : index
    %get3A_18 = vector.load %arg5[%get3A_15, %get3A_16, %get3A_17] : memref<4x128x64xf32, #tpu.memory_space<vmem>>, vector<1x128x64xf32>
    %get3A_19 = vector.shape_cast %get3A_18 : vector<1x128x64xf32> to vector<128x64xf32>
    %dot_general3A = arith.constant dense<0.000000e+00> : vector<64x1024xf32>
    %dot_general3A_20 = tpu.matmul %get3A_19, %get3A_11, %dot_general3A {dimension_numbers = #tpu.dot_dimension_numbers<[0], [1], [1], [0], [0, 1, 1, 0], [], []>, transpose_lhs_hint = false} : vector<128x64xf32>, vector<1024x128xf32>, vector<64x1024xf32> -> vector<64x1024xf32>
    %eq3A = arith.constant 0 : i32
    %eq3A_21 = vector.broadcast %eq3A : i32 to vector<1x1024xi32>
    %eq3A_22 = arith.cmpi eq, %get3A_3, %eq3A_21 : vector<1x1024xi32>
    %jit3A = arith.constant 1.000000e+00 : f32
    %jit3A_23 = arith.constant 0.000000e+00 : f32
    %broadcast_in_dim3A = vector.broadcast %jit3A : f32 to vector<1x1024xf32>
    %broadcast_in_dim3A_24 = vector.broadcast %jit3A_23 : f32 to vector<1x1024xf32>
    %select_n3A = arith.select %eq3A_22, %broadcast_in_dim3A, %broadcast_in_dim3A_24 : vector<1x1024xi1>, vector<1x1024xf32>
    %mul3A = vector.broadcast %select_n3A : vector<1x1024xf32> to vector<64x1024xf32>
    %mul3A_25 = arith.mulf %dot_general3A_20, %mul3A : vector<64x1024xf32>
    %add3A = vector.broadcast %get3A_14 : vector<64x1xf32> to vector<64x1024xf32>
    %add3A_26 = arith.addf %add3A, %mul3A_25 : vector<64x1024xf32>
    %get3A_27 = arith.constant 1 : index
    %get3A_28 = arith.constant 0 : index
    %get3A_29 = arith.constant 0 : index
    %get3A_30 = vector.load %arg5[%get3A_27, %get3A_28, %get3A_29] : memref<4x128x64xf32, #tpu.memory_space<vmem>>, vector<1x128x64xf32>
    %get3A_31 = vector.shape_cast %get3A_30 : vector<1x128x64xf32> to vector<128x64xf32>
    %dot_general3A_32 = arith.constant dense<0.000000e+00> : vector<64x1024xf32>
    %dot_general3A_33 = tpu.matmul %get3A_31, %get3A_11, %dot_general3A_32 {dimension_numbers = #tpu.dot_dimension_numbers<[0], [1], [1], [0], [0, 1, 1, 0], [], []>, transpose_lhs_hint = false} : vector<128x64xf32>, vector<1024x128xf32>, vector<64x1024xf32> -> vector<64x1024xf32>
    %eq3A_34 = arith.constant 1 : i32
    %eq3A_35 = vector.broadcast %eq3A_34 : i32 to vector<1x1024xi32>
    %eq3A_36 = arith.cmpi eq, %get3A_3, %eq3A_35 : vector<1x1024xi32>
    %jit3A_37 = arith.constant 1.000000e+00 : f32
    %jit3A_38 = arith.constant 0.000000e+00 : f32
    %broadcast_in_dim3A_39 = vector.broadcast %jit3A_37 : f32 to vector<1x1024xf32>
    %broadcast_in_dim3A_40 = vector.broadcast %jit3A_38 : f32 to vector<1x1024xf32>
    %select_n3A_41 = arith.select %eq3A_36, %broadcast_in_dim3A_39, %broadcast_in_dim3A_40 : vector<1x1024xi1>, vector<1x1024xf32>
    %mul3A_42 = vector.broadcast %select_n3A_41 : vector<1x1024xf32> to vector<64x1024xf32>
    %mul3A_43 = arith.mulf %dot_general3A_33, %mul3A_42 : vector<64x1024xf32>
    %add3A_44 = arith.addf %add3A_26, %mul3A_43 : vector<64x1024xf32>
    %get3A_45 = arith.constant 2 : index
    %get3A_46 = arith.constant 0 : index
    %get3A_47 = arith.constant 0 : index
    %get3A_48 = vector.load %arg5[%get3A_45, %get3A_46, %get3A_47] : memref<4x128x64xf32, #tpu.memory_space<vmem>>, vector<1x128x64xf32>
    %get3A_49 = vector.shape_cast %get3A_48 : vector<1x128x64xf32> to vector<128x64xf32>
    %dot_general3A_50 = arith.constant dense<0.000000e+00> : vector<64x1024xf32>
    %dot_general3A_51 = tpu.matmul %get3A_49, %get3A_11, %dot_general3A_50 {dimension_numbers = #tpu.dot_dimension_numbers<[0], [1], [1], [0], [0, 1, 1, 0], [], []>, transpose_lhs_hint = false} : vector<128x64xf32>, vector<1024x128xf32>, vector<64x1024xf32> -> vector<64x1024xf32>
    %eq3A_52 = arith.constant 2 : i32
    %eq3A_53 = vector.broadcast %eq3A_52 : i32 to vector<1x1024xi32>
    %eq3A_54 = arith.cmpi eq, %get3A_3, %eq3A_53 : vector<1x1024xi32>
    %jit3A_55 = arith.constant 1.000000e+00 : f32
    %jit3A_56 = arith.constant 0.000000e+00 : f32
    %broadcast_in_dim3A_57 = vector.broadcast %jit3A_55 : f32 to vector<1x1024xf32>
    %broadcast_in_dim3A_58 = vector.broadcast %jit3A_56 : f32 to vector<1x1024xf32>
    %select_n3A_59 = arith.select %eq3A_54, %broadcast_in_dim3A_57, %broadcast_in_dim3A_58 : vector<1x1024xi1>, vector<1x1024xf32>
    %mul3A_60 = vector.broadcast %select_n3A_59 : vector<1x1024xf32> to vector<64x1024xf32>
    %mul3A_61 = arith.mulf %dot_general3A_51, %mul3A_60 : vector<64x1024xf32>
    %add3A_62 = arith.addf %add3A_44, %mul3A_61 : vector<64x1024xf32>
    %get3A_63 = arith.constant 3 : index
    %get3A_64 = arith.constant 0 : index
    %get3A_65 = arith.constant 0 : index
    %get3A_66 = vector.load %arg5[%get3A_63, %get3A_64, %get3A_65] : memref<4x128x64xf32, #tpu.memory_space<vmem>>, vector<1x128x64xf32>
    %get3A_67 = vector.shape_cast %get3A_66 : vector<1x128x64xf32> to vector<128x64xf32>
    %dot_general3A_68 = arith.constant dense<0.000000e+00> : vector<64x1024xf32>
    %dot_general3A_69 = tpu.matmul %get3A_67, %get3A_11, %dot_general3A_68 {dimension_numbers = #tpu.dot_dimension_numbers<[0], [1], [1], [0], [0, 1, 1, 0], [], []>, transpose_lhs_hint = false} : vector<128x64xf32>, vector<1024x128xf32>, vector<64x1024xf32> -> vector<64x1024xf32>
    %eq3A_70 = arith.constant 3 : i32
    %eq3A_71 = vector.broadcast %eq3A_70 : i32 to vector<1x1024xi32>
    %eq3A_72 = arith.cmpi eq, %get3A_3, %eq3A_71 : vector<1x1024xi32>
    %jit3A_73 = arith.constant 1.000000e+00 : f32
    %jit3A_74 = arith.constant 0.000000e+00 : f32
    %broadcast_in_dim3A_75 = vector.broadcast %jit3A_73 : f32 to vector<1x1024xf32>
    %broadcast_in_dim3A_76 = vector.broadcast %jit3A_74 : f32 to vector<1x1024xf32>
    %select_n3A_77 = arith.select %eq3A_72, %broadcast_in_dim3A_75, %broadcast_in_dim3A_76 : vector<1x1024xi1>, vector<1x1024xf32>
    %mul3A_78 = vector.broadcast %select_n3A_77 : vector<1x1024xf32> to vector<64x1024xf32>
    %mul3A_79 = arith.mulf %dot_general3A_69, %mul3A_78 : vector<64x1024xf32>
    %add3A_80 = arith.addf %add3A_62, %mul3A_79 : vector<64x1024xf32>
    %iota3A = tpu.iota {dimensions = array<i32: 0>} : vector<1000x1024xi32>
    %eq3A_81 = vector.broadcast %get3A_8 : vector<1x1024xi32> to vector<1000x1024xi32>
    %eq3A_82 = arith.cmpi eq, %iota3A, %eq3A_81 : vector<1000x1024xi32>
    %jit3A_83 = arith.constant 1.000000e+00 : f32
    %jit3A_84 = arith.constant 0.000000e+00 : f32
    %broadcast_in_dim3A_85 = vector.broadcast %jit3A_83 : f32 to vector<1000x1024xf32>
    %broadcast_in_dim3A_86 = vector.broadcast %jit3A_84 : f32 to vector<1000x1024xf32>
    %select_n3A_87 = arith.select %eq3A_82, %broadcast_in_dim3A_85, %broadcast_in_dim3A_86 : vector<1000x1024xi1>, vector<1000x1024xf32>
    %get3A_88 = arith.constant 0 : index
    %get3A_89 = arith.constant 0 : index
    %get3A_90 = vector.load %arg4[%get3A_88, %get3A_89] : memref<32x1000xf32, #tpu.memory_space<vmem>>, vector<32x1000xf32>
    %dot_general3A_91 = arith.constant dense<0.000000e+00> : vector<32x1024xf32>
    %dot_general3A_92 = tpu.matmul %get3A_90, %select_n3A_87, %dot_general3A_91 {dimension_numbers = #tpu.dot_dimension_numbers<[1], [0], [0], [1], [0, 0, 1, 1], [], []>, transpose_lhs_hint = false} : vector<32x1000xf32>, vector<1000x1024xf32>, vector<32x1024xf32> -> vector<32x1024xf32>
    %get3A_93 = arith.constant 0 : index
    %get3A_94 = arith.constant 0 : index
    %get3A_95 = vector.load %arg6[%get3A_93, %get3A_94] : memref<32x64xf32, #tpu.memory_space<vmem>>, vector<32x64xf32>
    %dot_general3A_96 = arith.constant dense<0.000000e+00> : vector<64x1024xf32>
    %dot_general3A_97 = tpu.matmul %get3A_95, %dot_general3A_92, %dot_general3A_96 {dimension_numbers = #tpu.dot_dimension_numbers<[0], [0], [1], [1], [0, 1, 1, 1], [], []>, transpose_lhs_hint = false} : vector<32x64xf32>, vector<32x1024xf32>, vector<64x1024xf32> -> vector<64x1024xf32>
    %add3A_98 = arith.addf %add3A_80, %dot_general3A_97 : vector<64x1024xf32>
    %max3A = arith.constant 0.000000e+00 : f32
    %max3A_99 = vector.broadcast %max3A : f32 to vector<64x1024xf32>
    %max3A_100 = arith.maximumf %add3A_98, %max3A_99 : vector<64x1024xf32>
    %get3A_101 = arith.constant 0 : index
    %get3A_102 = arith.constant 0 : index
    %get3A_103 = vector.load %arg8[%get3A_101, %get3A_102] : memref<64x1000xf32, #tpu.memory_space<vmem>>, vector<64x1000xf32>
    %dot_general3A_104 = arith.constant dense<0.000000e+00> : vector<1000x1024xf32>
    %dot_general3A_105 = tpu.matmul %get3A_103, %max3A_100, %dot_general3A_104 {dimension_numbers = #tpu.dot_dimension_numbers<[0], [0], [1], [1], [0, 1, 1, 1], [], []>, transpose_lhs_hint = false} : vector<64x1000xf32>, vector<64x1024xf32>, vector<1000x1024xf32> -> vector<1000x1024xf32>
    %get3A_106 = arith.constant 0 : index
    %get3A_107 = arith.constant 0 : index
    %get3A_108 = vector.load %arg9[%get3A_106, %get3A_107] : memref<1000x1xf32, #tpu.memory_space<vmem>>, vector<1000x1xf32>
    %add3A_109 = vector.broadcast %get3A_108 : vector<1000x1xf32> to vector<1000x1024xf32>
    %add3A_110 = arith.addf %dot_general3A_105, %add3A_109 : vector<1000x1024xf32>
    %reduce_max3A = arith.constant dense<0xFF800000> : vector<1024xf32>
    %reduce_max3A_111 = vector.multi_reduction <maximumf>, %add3A_110, %reduce_max3A [0] : vector<1000x1024xf32> to vector<1024xf32>
    %broadcast_in_dim3A_112 = vector.shape_cast %reduce_max3A_111 : vector<1024xf32> to vector<1x1024xf32>
    %sub3A = vector.broadcast %broadcast_in_dim3A_112 : vector<1x1024xf32> to vector<1000x1024xf32>
    %sub3A_113 = arith.subf %add3A_110, %sub3A : vector<1000x1024xf32>
    %exp3A = math.exp %sub3A_113 : vector<1000x1024xf32>
    %reduce_sum3A = arith.constant dense<0.000000e+00> : vector<1024xf32>
    %reduce_sum3A_114 = vector.multi_reduction <add>, %exp3A, %reduce_sum3A [0] : vector<1000x1024xf32> to vector<1024xf32>
    %broadcast_in_dim3A_115 = vector.shape_cast %reduce_sum3A_114 : vector<1024xf32> to vector<1x1024xf32>
    %log3A = math.log %broadcast_in_dim3A_115 : vector<1x1024xf32>
    %add3A_116 = arith.addf %log3A, %broadcast_in_dim3A_112 : vector<1x1024xf32>
    %sub3A_117 = vector.broadcast %add3A_116 : vector<1x1024xf32> to vector<1000x1024xf32>
    %sub3A_118 = arith.subf %add3A_110, %sub3A_117 : vector<1000x1024xf32>
    %swap3A = arith.constant 0 : index
    %swap3A_119 = arith.constant 0 : index
    %swap3A_120 = arith.constant 0 : index
    %swap3A_121 = vector.load %arg10[%swap3A, %swap3A_119, %swap3A_120] : memref<1x1000x1024xf32, #tpu.memory_space<vmem>>, vector<1x1000x1024xf32>
    %swap3A_122 = vector.shape_cast %swap3A_121 : vector<1x1000x1024xf32> to vector<1000x1024xf32>
    %swap3A_123 = vector.shape_cast %sub3A_118 : vector<1000x1024xf32> to vector<1x1000x1024xf32>
    tpu.vector_store %arg10[%swap3A, %swap3A_119, %swap3A_120], %swap3A_123 {strides = array<i32>} : memref<1x1000x1024xf32, #tpu.memory_space<vmem>>, vector<1x1000x1024xf32>,
    return
  }
  func.func @transform_0(%arg0: i32) -> (i32, i32) {
    %c0_i32 = arith.constant 0 : i32
    %c0_i32_0 = arith.constant 0 : i32
    return %arg0, %c0_i32 : i32, i32
  }
  func.func @transform_1(%arg0: i32) -> (i32, i32, i32) {
    %c0_i32 = arith.constant 0 : i32
    %c0_i32_0 = arith.constant 0 : i32
    %c0_i32_1 = arith.constant 0 : i32
    return %arg0, %c0_i32, %c0_i32_0 : i32, i32, i32
  }
  func.func @transform_2(%arg0: i32) -> (i32, i32, i32) {
    %c0_i32 = arith.constant 0 : i32
    %c0_i32_0 = arith.constant 0 : i32
    %c0_i32_1 = arith.constant 0 : i32
    return %arg0, %c0_i32, %c0_i32_0 : i32, i32, i32
  }
  func.func @transform_3(%arg0: i32) -> (i32, i32) {
    %c0_i32 = arith.constant 0 : i32
    %c0_i32_0 = arith.constant 0 : i32
    %c0_i32_1 = arith.constant 0 : i32
    return %c0_i32, %c0_i32_0 : i32, i32
  }
  func.func @transform_4(%arg0: i32) -> (i32, i32, i32) {
    %c0_i32 = arith.constant 0 : i32
    %c0_i32_0 = arith.constant 0 : i32
    %c0_i32_1 = arith.constant 0 : i32
    %c0_i32_2 = arith.constant 0 : i32
    return %c0_i32, %c0_i32_0, %c0_i32_1 : i32, i32, i32
  }
  func.func @transform_5(%arg0: i32) -> (i32, i32) {
    %c0_i32 = arith.constant 0 : i32
    %c0_i32_0 = arith.constant 0 : i32
    %c0_i32_1 = arith.constant 0 : i32
    return %c0_i32, %c0_i32_0 : i32, i32
  }
  func.func @transform_6(%arg0: i32) -> (i32, i32) {
    %c0_i32 = arith.constant 0 : i32
    %c0_i32_0 = arith.constant 0 : i32
    %c0_i32_1 = arith.constant 0 : i32
    return %c0_i32, %c0_i32_0 : i32, i32
  }
  func.func @transform_7(%arg0: i32) -> (i32, i32) {
    %c0_i32 = arith.constant 0 : i32
    %c0_i32_0 = arith.constant 0 : i32
    %c0_i32_1 = arith.constant 0 : i32
    return %c0_i32, %c0_i32_0 : i32, i32
  }
  func.func @transform_8(%arg0: i32) -> (i32, i32) {
    %c0_i32 = arith.constant 0 : i32
    %c0_i32_0 = arith.constant 0 : i32
    %c0_i32_1 = arith.constant 0 : i32
    return %c0_i32, %c0_i32_0 : i32, i32
  }
  func.func @transform_9(%arg0: i32) -> (i32, i32, i32) {
    %c0_i32 = arith.constant 0 : i32
    %c0_i32_0 = arith.constant 0 : i32
    %c0_i32_1 = arith.constant 0 : i32
    return %arg0, %c0_i32, %c0_i32_0 : i32, i32, i32
  }
}

</mosaic_0001>

<sc_bundles>
// kernel: kernel.5.cloned.1.call-start
scs
__scs_entry_jumppad:
0x0: {  	(pc) =	sbr.rel $0x88, $3  }
0x1: {  	(tag) =	ssettag $0x0;
	lr =	simm.s32 $0x1  }
0x2: {  	[smem:$0x3F99] =	sst lr;
	_ =	strace $0xD0000000  }
0x3: {  	_ = 	snop  }
0x4: {  	_ = 	snop  }
0x5: {  	_ = 	snop  }
0x6: {  	_ = 	snop  }
0x7: {  	_ = 	snop  }
__scs_overlays_trampoline_lowered:
0x8: {  	[smem:$0x3FA8] =	sst s0  }
0x9: {  	[smem:$0x3FA9] =	sst s1  }
0xa: {  	[smem:$0x3FAA] =	sst s2  }
0xb: {  	[smem:$0x3FAB] =	sst s3  }
0xc: {  	[smem:$0x3FAC] =	sst s4  }
0xd: {  	[smem:$0x3FAD] =	sst s5  }
0xe: {  	[smem:$0x3FAE] =	sst s6  }
0xf: {  	[smem:$0x3FAF] =	sst s7  }
0x10: {  	[smem:$0x3FB0] =	sst s8  }
0x11: {  	[smem:$0x3FB1] =	sst s9;
	s0 =	simm.s32 @!p0 $0x0  }
0x12: {  	s1 =	sld [smem:$0x3F97];
	s0 =	simm.s32 @p0 $0x1  }
0x13: {  	[smem:$0x3FB2] =	sst s0;
	s0 =	simm.s32 @!p1 $0x0  }
0x14: {  	s2 =	sld [smem:$0x3F96];
	s0 =	simm.s32 @p1 $0x1  }
0x15: {  	[smem:$0x3FB3] =	sst s0;
	s0 =	simm.s32 @!p2 $0x0  }
0x16: {  	s3 =	sld [smem:$0x3FDB];
	s0 =	simm.s32 @p2 $0x1  }
0x17: {  	s4 =	simm.s32 $0x1BF5;
	[smem:$0x3FB5] =	sst s0  }
0x18: {  	s0 =	sld [smem:$0x3F98];
	_ =	swait.ge [sflag:s4], $0x0  }
0x19: {  	s7 =	sld [smem:$0x3F99]  }
0x1a: {  	s8 =	sadd.s32 $0xFFFFE003, lr  }
0x1b: {  	s9 =	sadd.s32 $0xFFFFFEF7, lr;
	s5 =	simm.s32 $0xFFFFFFFF;
	p2 =	slt.u32 s8, $0xFFFFF086  }
0x1c: {  	p1 =	slt.u32 s9, $0xF7A;
	s5 =	simm.s32 @!p2 $0x0  }
0x1d: {  	s5 =	simm.s32 @p1 $0x1;
	p0 =	seq.s32 s7, s2  }
0x1e: {  	s7 =	smul.u32 @!p0 $0xF7A, s2;
	p2 =	seq.s32 @!p0 s5, $0x0  }
0x1f: {  	s9 =	smul.u32 $0xF7A, s1;
	s8 =	simm.s32 @!p0 $0x1BF5;
	p2 =	por !p2, p0  }
0x20: {  	[sflag:s8] =	ssyncset.s32 @!p0 $0xFFFFF086;
	s6 =	sadd.s32 @!p0 s3, s7;
	s7 =	simm.s32 @!p0 $0x108  }
0x21: {  	s3 =	sadd.s32 s3, s9;
	s6 =	sadd.s32 @!p0 $0x88, s6;
	s7 =	simm.s32 @p2 $0x1082  }
0x22: {  	[simem:s7], [sflag:s8] =	dma.local @!p0 [hbm:s6], $0xF7A  }
0x23: {  	s9 =	sor.u32 $0xD0000000, s2;
	s6 =	simm.s32 $0x108;
	_ =	swait.ge @!p0 [sflag:s8], $0x0  }
0x24: {  	s3 =	sadd.s32 $0x88, s3;
	s6 =	simm.s32 @!p1 $0x1082;
	[sflag:s4] =	ssyncset.s32 $0xFFFFF086  }
0x25: {  	[simem:s6], [sflag:s4] =	dma.local [hbm:s3], $0xF7A  }
0x26: {  	[smem:$0x3F99] =	sst s1;
	(tag) =	ssettag s2;
	_ =	strace s9  }
0x27: {  	s1 =	sld [smem:$0x3FA9]  }
0x28: {  	s2 =	sld [smem:$0x3FAA]  }
0x29: {  	s4 =	sld [smem:$0x3FAC]  }
0x2a: {  	p0 =	seq.s32 s5, $0x0;
	s5 =	sld [smem:$0x3FAD]  }
0x2b: {  	s6 =	sld [smem:$0x3FAE]  }
0x2c: {  	s7 =	sld [smem:$0x3FAF]  }
0x2d: {  	s3 =	simm.s32 $0x108;
	s8 =	sld [smem:$0x3FB0]  }
0x2e: {  	s3 =	simm.s32 @!p0 $0x1082;
	s9 =	sld [smem:$0x3FB1]  }
0x2f: {  	lr =	sadd.s32 s0, s3;
	s0 =	sld [smem:$0x3FA8]  }
0x30: {  	s3 =	sld [smem:$0x3FAB]  }
0x31: {  	[smem:$0x3FB4] =	sst s10  }
0x32: {  	s10 =	sld [smem:$0x3FB2];
	_ =	sdelay $0x3  }
0x33: {  	p0 =	seq.s32 s10, $0x1;
	s10 =	sld [smem:$0x3FB4];
	_ =	sdelay $0x3  }
0x34: {  	[smem:$0x3FB4] =	sst s10  }
0x35: {  	s10 =	sld [smem:$0x3FB3];
	_ =	sdelay $0x3  }
0x36: {  	p1 =	seq.s32 s10, $0x1;
	s10 =	sld [smem:$0x3FB4];
	_ =	sdelay $0x3  }
0x37: {  	[smem:$0x3FB4] =	sst s10  }
0x38: {  	s10 =	sld [smem:$0x3FB5]  }
0x39: {  	_ = 	snop;
	(pc) =	sbr.ind lr, $3  }
0x3a: {  	_ = 	snop  }
0x3b: {  	_ = 	snop  }
0x3c: {  	p2 =	seq.s32 s10, $0x1;
	s10 =	sld [smem:$0x3FB4]  }
0x3d: {  	_ =	shalt  }
0x3e: {  	_ =	shalt  }
0x3f: {  	_ =	shalt  }
0x40: {  	_ =	shalt  }
0x41: {  	_ =	shalt  }
0x42: {  	_ =	shalt  }
0x43: {  	_ =	shalt  }
0x44: {  	_ =	shalt  }
0x45: {  	_ =	shalt  }
0x46: {  	_ =	shalt  }
0x47: {  	_ =	shalt  }
0x48: {  	_ =	shalt  }
0x49: {  	_ =	shalt  }
0x4a: {  	_ =	shalt  }
0x4b: {  	_ =	shalt  }
0x4c: {  	_ =	shalt  }
0x4d: {  	_ =	shalt  }
0x4e: {  	_ =	shalt  }
0x4f: {  	_ =	shalt  }
0x50: {  	_ =	shalt  }
0x51: {  	_ =	shalt  }
0x52: {  	_ =	shalt  }
0x53: {  	_ =	shalt  }
0x54: {  	_ =	shalt  }
0x55: {  	_ =	shalt  }
0x56: {  	_ =	shalt  }
0x57: {  	_ =	shalt  }
0x58: {  	_ =	shalt  }
0x59: {  	_ =	shalt  }
0x5a: {  	_ =	shalt  }
0x5b: {  	_ =	shalt  }
0x5c: {  	_ =	shalt  }
0x5d: {  	_ =	shalt  }
0x5e: {  	_ =	shalt  }
0x5f: {  	_ =	shalt  }
0x60: {  	_ =	shalt  }
0x61: {  	_ =	shalt  }
0x62: {  	_ =	shalt  }
0x63: {  	_ =	shalt  }
0x64: {  	_ =	shalt  }
0x65: {  	_ =	shalt  }
0x66: {  	_ =	shalt  }
0x67: {  	_ =	shalt  }
0x68: {  	_ =	shalt  }
0x69: {  	_ =	shalt  }
0x6a: {  	_ =	shalt  }
0x6b: {  	_ =	shalt  }
0x6c: {  	_ =	shalt  }
0x6d: {  	_ =	shalt  }
0x6e: {  	_ =	shalt  }
0x6f: {  	_ =	shalt  }
0x70: {  	_ =	shalt  }
0x71: {  	_ =	shalt  }
0x72: {  	_ =	shalt  }
0x73: {  	_ =	shalt  }
0x74: {  	_ =	shalt  }
0x75: {  	_ =	shalt  }
0x76: {  	_ =	shalt  }
0x77: {  	_ =	shalt  }
0x78: {  	_ =	shalt  }
0x79: {  	_ =	shalt  }
0x7a: {  	_ =	shalt  }
0x7b: {  	_ =	shalt  }
0x7c: {  	_ =	shalt  }
0x7d: {  	_ =	shalt  }
0x7e: {  	_ =	shalt  }
0x7f: {  	_ =	shalt  }
0x80: {  	_ =	shalt  }
0x81: {  	_ =	shalt  }
0x82: {  	_ =	shalt  }
0x83: {  	_ =	shalt  }
0x84: {  	_ =	shalt  }
0x85: {  	_ =	shalt  }
0x86: {  	_ =	shalt  }
0x87: {  	_ =	shalt  }
.Lfunc_end0:
.L_simem_size_0:
called_computation_lowered:
.L_overlay_start_0:
0x88: {  	s2 =	sld [smem:$0x3FD9]  }
0x89: {  	s3 =	sld [smem:$0x3FFE];
	_ =	sdelay $0x1  }
0x8a: {  	s1 =	srdreg.scid  }
0x8b: {  	s0 =	sand.u32 $0x1, s1  }
0x8c: {  	s17 =	sshll.u32 s0, $0xA;
	s2 =	sadd.s32 s3, s2  }
0x8d: {  	s2 =	sadd.s32 s2, s17  }
0x8e: {  	[smem:$0x3FC0] =	sst s2  }
0x8f: {  	_ = 	snop  }
0x90: {  	s2 =	sld [smem:$0x3FD0];
	(tm) =	ssettm $0x1  }
0x91: {  	s18 =	sld [smem:$0x3FFB];
	_ =	sdelay $0x3  }
0x92: {  	_ =	strace s18  }
0x93: {  	s3 =	sld [smem:$0x3FFC];
	_ =	sdelay $0x3  }
0x94: {  	_ =	strace s3  }
0x95: {  	s3 =	sld [smem:$0x3FFD];
	_ =	sdelay $0x3  }
0x96: {  	_ =	strace s3  }
0x97: {  	_ =	strace $0x8FFFFFFF  }
0x98: {  	s19 =	sld [smem:$0x3FDB];
	_ =	sdelay $0x1  }
0x99: {  	s4 =	simm.s32 $_scs_section_size  }
0x9a: {  	s5 =	simm.s32 $_size__tile_overlayer_lowered;
	s6 =	simm.s32 $_tile_overlayer_lowered  }
0x9b: {  	s22 =	simm.s32 $0x1BFF;
	s21 =	sshll.u32 s6, $0x1;
	s3 =	sadd.s32 s4, s19  }
0x9c: {  	s7 =	simm.s32 $0x0;
	s20 =	sshll.u32 s5, $0x1;
	s5 =	sadd.s32 s21, s3  }
0x9d: {  	[timem:s7], [sflag:s22] =	dma.local [hbm:s5], s20  }
0x9e: {  	_ =	swait.ge [sflag:s22], s20  }
0x9f: {  	s4 =	ssub.s32 $0x0, s20;
	[sflag:s22] =	ssyncset.done $0x0  }
0xa0: {  	[sflag:s22] =	ssyncadd.s32 s4;
	_ =	sdelay $0x1  }
0xa1: {  	s23 =	simm.s32 $0x1B8B  }
0xa2: {  	_ =	swait.ge [sflag:s23], $0x1  }
0xa3: {  	[sflag:s23] =	ssyncset.done $0x0  }
0xa4: {  	s25 =	simm.s32 $0x1B8E;
	s24 =	sld [smem:$0x3FFE];
	[sflag:s23] =	ssyncadd.s32 $0xFFFFFFFF  }
0xa5: {  	s26 =	simm.s32 $execute0_lowered;
	[smem:$0x3FD2] =	sst s25  }
0xa6: {  	s5 =	sshll.u32 s26, $0x1;
	_ =	strace $0x80000046;
	[dreg:$0x1] =	wrdreg $0xFFFFFFFF  }
0xa7: {  	s28 =	simm.s32 $_size_execute0_lowered;
	s3 =	sadd.s32 s3, s5;
	[dreg:$0x0] =	wrdreg $0x0  }
0xa8: {  	s5 =	sshll.u32 s28, $0x1;
	[dreg:$0x2] =	wrdreg s3  }
0xa9: {  	[dreg:$0x3] =	wrdreg s5  }
0xaa: {  	[dreg:$0x4] =	wrdreg $0xC0  }
0xab: {  	_ =	task [dreg:s7], $0x5FFFF  }
0xac: {  	[dreg:$0x1] =	wrdreg $0xFFFFFFFF  }
0xad: {  	[dreg:$0x0] =	wrdreg $0x60  }
0xae: {  	[dreg:$0x2] =	wrdreg s24  }
0xaf: {  	[dreg:$0x3] =	wrdreg s2  }
0xb0: {  	[dreg:$0x4] =	wrdreg $0x9  }
0xb1: {  	_ =	task.clear_ibuf [dreg:s7], $0x5FFFF;
	_ =	strace $0x90000046  }
0xb2: {  	s29 =	simm.s32 $0x9;
	_ =	strace $0x80000048  }
0xb3: {  	_ =	swait.ge [sflag:s29], $0x1  }
0xb4: {  	[sflag:s29] =	ssyncadd.s32 $0xFFFFFFFF  }
0xb5: {  	_ =	strace $0x90000048  }
0xb6: {  	_ =	sfence  }
0xb7: {  	s30 =	sld [smem:$0x0];
	_ =	sdelay $0x2  }
0xb8: {  	s31 =	sshll.u32 s1, $0xD;
	s1 =	sshrl.u32 s1, $0x2  }
0xb9: {  	s3 =	sand.u32 $0x4000, s31;
	s1 =	sadd.s32 s1, s30  }
0xba: {  	s0 =	sor.u32 s3, s0;
	s1 =	sshll.u32 s1, $0x11  }
0xbb: {  	s0 =	sor.u32 s1, s0  }
0xbc: {  	s0 =	sadd.s32 $0x8F2B, s0  }
0xbd: {  	[sflag:s0] =	ssyncadd.remote.s32 $0x1  }
0xbe: {  	_ =	sfence.sel $0xFFFF  }
0xbf: {  	[dreg:$0x0] =	wrdreg $0xFFFFFFFF;
	(pc) =	sbr.abs _section_cstart, $3  }
0xc0: {  	[dreg:$0x1] =	wrdreg $0xFFFFFFFF  }
0xc1: {  	_ =	task.clear_ibuf [dreg:s7], $0x2FFFF;
	_ =	strace $0x9FFFFFFF  }
0xc2: {  	(tm) =	ssettm $0x7FFFFFFF  }
0xc3: {  	_ =	shalt  }
tec
execute0_lowered:
.L_overlay_start_1:
0x0: {  	(tag) =	ssettag $0x1  }
0x1: {  	s1 =	srdreg.scid;
	s0 =	stileid.u32  }
0x2: {  	s13 =	rddreg [dreg:$0x0];
	s21 =	sand.u32 $0x1, s1;
	s3 =	sshll.u32 s0, $0x1  }
0x3: {  	s20 =	rddreg [dreg:$0x1];
	s22 =	sor.u32 s21, s3  }
0x4: {  	s2 =	simm.s32 $0x0;
	s1 =	rddreg [dreg:$0x2];
	s3 =	smul.u32 $0x50, s22  }
0x5: {  	s4 =	simm.s32 $0x2;
	[smem:$0x7FF] =	sst s2;
	s5 =	sadd.s32 $0x1800, s13  }
0x6: {  	_ =	strace $0x80000047;
	s6 =	smul.u32 $0x280, s22;
	s3 =	sadd.s32 s5, s3  }
0x7: {  	[tilespmem:s2], [sflag:$0x2] =	stream.linear.gather [hbm4b:s3+s2], $0x80, $0x38;
	[tilespmem:$0x14280] =	vst v63  }
0x8: {  	s6 =	sshrl.u32 s6, $0x3;
	_ =	swait.ge [sflag:s4], $0x80  }
0x9: {  	s11 =	sadd.s32 s5, s6;
	[sflag:s4] =	ssyncset.done $0x0  }
0xa: {  	s6 =	simm.s32 $0x80;
	s5 =	sadd.s32 $0x10, s11;
	[sflag:s4] =	ssyncadd.s32 $0xFFFFFF80  }
0xb: {  	[tilespmem:s6], [sflag:$0x2] =	stream.linear.gather [hbm4b:s5+s2], $0x80, $0x38;
	[tilespmem:$0x14280] =	vst v63  }
0xc: {  	_ =	swait.ge [sflag:s4], $0x80  }
0xd: {  	[sflag:s4] =	ssyncset.done $0x0  }
0xe: {  	s8 =	simm.s32 $0x100;
	s7 =	sadd.s32 $0x20, s11;
	[sflag:s4] =	ssyncadd.s32 $0xFFFFFF80  }
0xf: {  	[tilespmem:s8], [sflag:$0x2] =	stream.linear.gather [hbm4b:s7+s2], $0x80, $0x38;
	[tilespmem:$0x14280] =	vst v63  }
0x10: {  	_ =	swait.ge [sflag:s4], $0x80  }
0x11: {  	[sflag:s4] =	ssyncset.done $0x0  }
0x12: {  	s10 =	simm.s32 $0x180;
	s9 =	sadd.s32 $0x30, s11;
	[sflag:s4] =	ssyncadd.s32 $0xFFFFFF80  }
0x13: {  	[tilespmem:s10], [sflag:$0x2] =	stream.linear.gather [hbm4b:s9+s2], $0x80, $0x38;
	[tilespmem:$0x14280] =	vst v63  }
0x14: {  	_ =	swait.ge [sflag:s4], $0x80  }
0x15: {  	[sflag:s4] =	ssyncset.done $0x0  }
0x16: {  	s12 =	simm.s32 $0x200;
	s11 =	sadd.s32 $0x40, s11;
	[sflag:s4] =	ssyncadd.s32 $0xFFFFFF80  }
0x17: {  	[tilespmem:s12], [sflag:$0x2] =	stream.linear.gather [hbm4b:s11+s2], $0x80, $0x38;
	[tilespmem:$0x14280] =	vst v63  }
0x18: {  	_ =	swait.ge [sflag:s4], $0x80  }
0x19: {  	[sflag:s4] =	ssyncset.done $0x0  }
0x1a: {  	s14 =	simm.s32 $0x280;
	s13 =	sadd.s32 $0x2200, s13;
	[sflag:s4] =	ssyncadd.s32 $0xFFFFFF80  }
0x1b: {  	[tilespmem:s14], [sflag:$0x1] =	stream.indirect.gather [hbm4b:s13+s6], $0x80, s2, s6, $0xb8;
	[tilespmem:$0x14280] =	vst v63  }
0x1c: {  	s15 =	simm.s32 $0x4280  }
0x1d: {  	[tilespmem:s15], [sflag:$0x1] =	stream.indirect.gather [hbm4b:s13+s6], $0x80, s6, s6, $0xb8;
	[tilespmem:$0x14280] =	vst v63  }
0x1e: {  	s16 =	simm.s32 $0x8280  }
0x1f: {  	[tilespmem:s16], [sflag:$0x1] =	stream.indirect.gather [hbm4b:s13+s6], $0x80, s8, s6, $0xb8;
	[tilespmem:$0x14280] =	vst v63  }
0x20: {  	s17 =	simm.s32 $0xC280  }
0x21: {  	[tilespmem:s17], [sflag:$0x1] =	stream.indirect.gather [hbm4b:s13+s6], $0x80, s10, s6, $0xb8;
	[tilespmem:$0x14280] =	vst v63  }
0x22: {  	s18 =	simm.s32 $0x10280;
	s19 =	simm.s32 $0x1  }
0x23: {  	[tilespmem:s18], [sflag:$0x1] =	stream.indirect.gather [hbm4b:s13+s6], $0x80, s12, s6, $0xb8;
	[tilespmem:$0x14280] =	vst v63  }
0x24: {  	_ =	swait.ge [sflag:s19], $0x4000  }
0x25: {  	[sflag:s19] =	ssyncset.done $0x0  }
0x26: {  	[sflag:s19] =	ssyncadd.s32 $0xFFFFC000  }
0x27: {  	_ =	swait.ge [sflag:s19], $0x4000  }
0x28: {  	[sflag:s19] =	ssyncset.done $0x0  }
0x29: {  	[sflag:s19] =	ssyncadd.s32 $0xFFFFC000  }
0x2a: {  	_ =	swait.ge [sflag:s19], $0x4000  }
0x2b: {  	[sflag:s19] =	ssyncset.done $0x0  }
0x2c: {  	s21 =	ssub.s32 $0x2, s21;
	[sflag:s19] =	ssyncadd.s32 $0xFFFFC000  }
0x2d: {  	s23 =	sshrl.u32 s21, $0x1;
	_ =	swait.ge [sflag:s19], $0x4000  }
0x2e: {  	s21 =	ssub.s32 s21, s23;
	[sflag:s19] =	ssyncset.done $0x0  }
0x2f: {  	s21 =	smax.u32 s21, $0x1;
	[sflag:s19] =	ssyncadd.s32 $0xFFFFC000  }
0x30: {  	s22 =	smul.u32 $0x2800, s22;
	p0 =	sne.s32 s21, $0x1;
	_ =	swait.ge [sflag:s19], $0x4000  }
.Ltmp0:
0x31: {  	[sflag:s19] =	ssyncset.done $0x0;
	(pc) =	sbr.rel @!p0 .LBB2_2-.Ltmp0, $4  }
0x32: {  	s20 =	sadd.s32 s20, s22;
	[sflag:s19] =	ssyncadd.s32 $0xFFFFC000  }
0x33: {  	[hbm4b:s20+s2] =	stream.linear.scatter [tilespmem:s14], [sflag:$0x2], $0x14000, $0x38;
	[tilespmem:$0x14280] =	vst v63  }
0x34: {  	_ =	swait.ge [sflag:s4], $0x14000  }
0x35: {  	s21 =	sadd.s32 $0xFFFFFFFF, s21;
	[sflag:s4] =	ssyncset.done $0x0  }
.LBB2_1:
0x36: {  	p0 =	sne.s32 s21, $0x1;
	s21 =	sadd.s32 $0xFFFFFFFF, s21;
	[sflag:s4] =	ssyncadd.s32 $0xFFFEC000  }
0x37: {  	[tilespmem:s2], [sflag:$0x2] =	stream.linear.gather [hbm4b:s3+s2], $0x80, $0x38;
	[tilespmem:$0x14280] =	vst v63  }
0x38: {  	_ =	swait.ge [sflag:s4], $0x80  }
0x39: {  	[sflag:s4] =	ssyncset.done $0x0  }
0x3a: {  	[sflag:s4] =	ssyncadd.s32 $0xFFFFFF80  }
0x3b: {  	[tilespmem:s6], [sflag:$0x2] =	stream.linear.gather [hbm4b:s5+s2], $0x80, $0x38;
	[tilespmem:$0x14280] =	vst v63  }
0x3c: {  	_ =	swait.ge [sflag:s4], $0x80  }
0x3d: {  	[sflag:s4] =	ssyncset.done $0x0  }
0x3e: {  	[sflag:s4] =	ssyncadd.s32 $0xFFFFFF80  }
0x3f: {  	[tilespmem:s8], [sflag:$0x2] =	stream.linear.gather [hbm4b:s7+s2], $0x80, $0x38;
	[tilespmem:$0x14280] =	vst v63  }
0x40: {  	_ =	swait.ge [sflag:s4], $0x80  }
0x41: {  	[sflag:s4] =	ssyncset.done $0x0  }
0x42: {  	[sflag:s4] =	ssyncadd.s32 $0xFFFFFF80  }
0x43: {  	[tilespmem:s10], [sflag:$0x2] =	stream.linear.gather [hbm4b:s9+s2], $0x80, $0x38;
	[tilespmem:$0x14280] =	vst v63  }
0x44: {  	_ =	swait.ge [sflag:s4], $0x80  }
0x45: {  	[sflag:s4] =	ssyncset.done $0x0  }
0x46: {  	[sflag:s4] =	ssyncadd.s32 $0xFFFFFF80  }
0x47: {  	[tilespmem:s12], [sflag:$0x2] =	stream.linear.gather [hbm4b:s11+s2], $0x80, $0x38;
	[tilespmem:$0x14280] =	vst v63  }
0x48: {  	_ =	swait.ge [sflag:s4], $0x80  }
0x49: {  	[sflag:s4] =	ssyncset.done $0x0  }
0x4a: {  	[sflag:s4] =	ssyncadd.s32 $0xFFFFFF80  }
0x4b: {  	[tilespmem:s14], [sflag:$0x1] =	stream.indirect.gather [hbm4b:s13+s6], $0x80, s2, s6, $0xb8;
	[tilespmem:$0x14280] =	vst v63  }
0x4c: {  	_ = 	snop  }
0x4d: {  	[tilespmem:s15], [sflag:$0x1] =	stream.indirect.gather [hbm4b:s13+s6], $0x80, s6, s6, $0xb8;
	[tilespmem:$0x14280] =	vst v63  }
0x4e: {  	_ = 	snop  }
0x4f: {  	[tilespmem:s16], [sflag:$0x1] =	stream.indirect.gather [hbm4b:s13+s6], $0x80, s8, s6, $0xb8;
	[tilespmem:$0x14280] =	vst v63  }
0x50: {  	_ = 	snop  }
0x51: {  	[tilespmem:s17], [sflag:$0x1] =	stream.indirect.gather [hbm4b:s13+s6], $0x80, s10, s6, $0xb8;
	[tilespmem:$0x14280] =	vst v63  }
0x52: {  	_ = 	snop  }
0x53: {  	[tilespmem:s18], [sflag:$0x1] =	stream.indirect.gather [hbm4b:s13+s6], $0x80, s12, s6, $0xb8;
	[tilespmem:$0x14280] =	vst v63  }
0x54: {  	_ =	swait.ge [sflag:s19], $0x4000  }
0x55: {  	[sflag:s19] =	ssyncset.done $0x0  }
0x56: {  	[sflag:s19] =	ssyncadd.s32 $0xFFFFC000  }
0x57: {  	_ =	swait.ge [sflag:s19], $0x4000  }
0x58: {  	[sflag:s19] =	ssyncset.done $0x0  }
0x59: {  	[sflag:s19] =	ssyncadd.s32 $0xFFFFC000  }
0x5a: {  	_ =	swait.ge [sflag:s19], $0x4000  }
0x5b: {  	[sflag:s19] =	ssyncset.done $0x0  }
0x5c: {  	[sflag:s19] =	ssyncadd.s32 $0xFFFFC000  }
0x5d: {  	_ =	swait.ge [sflag:s19], $0x4000  }
0x5e: {  	[sflag:s19] =	ssyncset.done $0x0  }
0x5f: {  	[sflag:s19] =	ssyncadd.s32 $0xFFFFC000  }
0x60: {  	_ =	swait.ge [sflag:s19], $0x4000  }
.Ltmp1:
0x61: {  	[sflag:s19] =	ssyncset.done $0x0;
	(pc) =	sbr.rel @p0 .LBB2_1-.Ltmp1, $4  }
0x62: {  	[sflag:s19] =	ssyncadd.s32 $0xFFFFC000  }
0x63: {  	[hbm4b:s20+s2] =	stream.linear.scatter [tilespmem:s14], [sflag:$0x2], $0x14000, $0x38;
	[tilespmem:$0x14280] =	vst v63  }
0x64: {  	_ =	swait.ge [sflag:s4], $0x14000  }
0x65: {  	[sflag:s4] =	ssyncset.done $0x0  }
.LBB2_2:
0x66: {  	[sflag:s4] =	ssyncadd.s32 $0xFFFEC000  }
0x67: {  	_ =	sfence.sel $0x180000  }
0x68: {  	[bflag:$0x0] =	sbarrier.arrive $0xFFFF  }
0x69: {  	p0 =	sne.s32 s0, $0x0;
	_ =	strace $0x90000047  }
0x6a: {  	s0 =	sadd.s32 @!p0 $0x100000, s1;
	[bflag:$0x2] =	sbarrier.arrive $0xFFFF  }
0x6b: {  	[sflag:s0] =	ssyncadd.tile.s32 @!p0 $0x1;
	_ =	shalt  }
.Lfunc_end2:
_tile_overlayer_lowered:
.L_overlay_start_2:
0x6c: {  	(tag) =	ssettag $0x2  }
0x6d: {  	s0 =	rddreg [dreg:$0x0];
	s2 =	stileid.u32  }
0x6e: {  	s1 =	rddreg [dreg:$0x1];
	p0 =	sne.s32 s2, $0x0  }
0x6f: {  	s3 =	rddreg [dreg:$0x2];
	[bflag:$0x3] =	sbarrier.arrive $0xFFFF;
	s2 =	simm.s32 @!p0 $0x1C02  }
0x70: {  	[timem:s3], [sflag:s2] =	dma.local @!p0 [hbm:s0], s1  }
0x71: {  	s0 =	simm.s32 @!p0 $0x2  }
0x72: {  	_ =	swait.ge @!p0 [sflag:s0], s1  }
0x73: {  	s1 =	ssub.s32 @!p0 $0x0, s1;
	[sflag:s0] =	ssyncset.done @!p0 $0x0  }
0x74: {  	[sflag:s0] =	ssyncadd.s32 @!p0 s1  }
0x75: {  	[bflag:$0x3] =	sbarrier.arrive $0xFFFF  }
0x76: {  	_ =	shalt  }

</sc_bundles>
